<compile_context>
chip_gen: v7x
topology: tpu7x:2x2x1
jax: 0.10.2.dev20260603
libtpu: 0.0.44.dev20260713+nightly
codegen_flags: <defaults>
</compile_context>

<pallas_src>
import jax
import jax.numpy as jnp
from jax.experimental import pallas as pl

_NPER = 16
_EPER = _NPER * (_NPER - 1)
_ED = _NPER * _NPER
_A = 8
_MID = 8


def _mrf_block(ed_ref, er_ref, nf_ref, gf_ref, fl_ref,
               wjf_ref, bjf_ref, wju_ref, bju_ref,
               wif_ref, bif_ref, wiu_ref, biu_ref,
               out_ref):
    G = gf_ref.shape[0]
    EE = G * _ED
    NN = G * _NPER
    f32 = jnp.float32
    ed = ed_ref[...].reshape(EE, 64)
    er = er_ref[...].reshape(EE, 64)
    gf = gf_ref[...].reshape(G, 32)

    def edge_lin(w_ref, b_ref, cout):
        w = w_ref[...]
        u_part = jnp.dot(gf, w[64:, :], preferred_element_type=f32, precision=jax.lax.Precision.HIGHEST) + b_ref[...]
        x = jnp.dot(ed, w[:64, :], preferred_element_type=f32, precision=jax.lax.Precision.HIGHEST)
        xr = jnp.dot(er, w[:64, :], preferred_element_type=f32, precision=jax.lax.Precision.HIGHEST)
        x = (x.reshape(G, _ED, cout) + u_part[:, None, :]).reshape(EE, cout)
        xr = (xr.reshape(G, _ED, cout) + u_part[:, None, :]).reshape(EE, cout)
        return jnp.transpose(x), jnp.transpose(xr)

    fcT, fcrT = edge_lin(wjf_ref, bjf_ref, _A * _MID)
    ucT, ucrT = edge_lin(wju_ref, bju_ref, _A * _MID)

    flag = fl_ref[...].reshape(1, EE)

    def node_lin(w_ref, b_ref):
        w = w_ref[...]
        nf = nf_ref[...].reshape(NN, 64)
        u_part = jnp.dot(gf, w[64:, :], preferred_element_type=f32, precision=jax.lax.Precision.HIGHEST) + b_ref[...]
        x = jnp.dot(nf, w[:64, :], preferred_element_type=f32, precision=jax.lax.Precision.HIGHEST)
        x = (x.reshape(G, _NPER, _A) + u_part[:, None, :]).reshape(NN, _A)
        return jnp.transpose(x)

    nifT = node_lin(wif_ref, bif_ref)
    niuT = node_lin(wiu_ref, biu_ref)

    fc3 = fcT.reshape(_A, _MID, EE)
    fcr3 = fcrT.reshape(_A, _MID, EE)
    uc3 = ucT.reshape(_A, _MID, EE)
    ucr3 = ucrT.reshape(_A, _MID, EE)

    def pair_vals(x3, y3):
        acc = x3[:, 0, :][:, None, :] * y3[:, 0, :][None, :, :]
        for k in range(1, _MID):
            acc = acc + x3[:, k, :][:, None, :] * y3[:, k, :][None, :, :]
        return acc

    fv = pair_vals(fc3, fcr3)
    uv = pair_vals(uc3, ucr3)
    fvT = jnp.transpose(fv, (1, 0, 2))
    uvT = jnp.transpose(uv, (1, 0, 2))

    ecol = jax.lax.broadcasted_iota(jnp.int32, (NN, EE), 1)
    nrow = jax.lax.broadcasted_iota(jnp.int32, (NN, EE), 0)
    same_g = (nrow // _NPER) == (ecol // _ED)
    n_of = nrow % _NPER
    i_of = (ecol % _ED) // _NPER
    j_of = ecol % _NPER
    Psrc = jnp.where(jnp.logical_and(same_g, n_of == i_of), 1.0, 0.0)
    Qdst = jnp.where(jnp.logical_and(same_g, n_of == j_of), 1.0, 0.0)
    SdstT = jnp.transpose(Qdst)

    def bcast(node_t, pmat):
        return jnp.dot(node_t, pmat, preferred_element_type=f32, precision=jax.lax.Precision.HIGHEST)

    if_s = bcast(nifT, Psrc)
    if_d = bcast(nifT, Qdst)
    iu_s = bcast(niuT, Psrc)
    iu_d = bcast(niuT, Qdst)

    def direction(mm_e, e_sub, if_e, nu_e, eu_sub, iu_e, FV, UV):
        agg = mm_e - e_sub + if_e
        m = FV + agg[None, :, :]
        mx = jnp.max(m, axis=1, keepdims=True)
        em = jnp.exp(m - mx)
        s = jnp.sum(em, axis=1)
        lse = mx[:, 0, :] + jnp.log(s)
        mx2 = jnp.max(lse, axis=0, keepdims=True)
        sh = lse - mx2
        m_sum = sh - jnp.log(jnp.sum(jnp.exp(sh), axis=0, keepdims=True))
        msg = m_sum * flag
        util = nu_e - eu_sub + iu_e
        tum = UV + util[None, :, :]
        util_msg = (jnp.sum(tum * em, axis=1) / s) * flag
        return msg, util_msg

    def body(_, st):
        mm, nu, e_msg, e_rmsg, e_util, e_rutil = st
        mm_s = bcast(mm, Psrc)
        mm_d = bcast(mm, Qdst)
        nu_s = bcast(nu, Psrc)
        nu_d = bcast(nu, Qdst)
        msg, util_msg = direction(mm_s, e_rmsg, if_s, nu_s, e_rutil, iu_s, fv, uv)
        msg_r, util_r = direction(mm_d, e_msg, if_d, nu_d, e_util, iu_d, fvT, uvT)
        new_mm = jnp.dot(msg, SdstT, preferred_element_type=f32, precision=jax.lax.Precision.HIGHEST)
        new_nu = jnp.dot(util_msg, SdstT, preferred_element_type=f32, precision=jax.lax.Precision.HIGHEST)
        return (new_mm, new_nu, msg, msg_r, util_msg, util_r)

    z_n = jnp.zeros((_A, NN), f32)
    z_e = jnp.zeros((_A, EE), f32)
    st = jax.lax.fori_loop(0, _NPER, body, (z_n, z_n, z_e, z_e, z_e, z_e))

    sel_r = jax.lax.broadcasted_iota(jnp.int32, (NN, G), 0)
    sel_c = jax.lax.broadcasted_iota(jnp.int32, (NN, G), 1)
    Rsel = jnp.where(sel_r == sel_c * _NPER, 1.0, 0.0)
    outT = jnp.dot(st[1] + niuT, Rsel, preferred_element_type=f32, precision=jax.lax.Precision.HIGHEST)
    out_ref[...] = jnp.transpose(outT).reshape(G, 1, _A)


def _densify(x, bg):
    c = x.shape[-1]
    y = x.reshape(bg, _NPER - 1, _NPER, c)
    y = jnp.pad(y, ((0, 0), (0, 0), (1, 0), (0, 0)))
    y = y.reshape(bg, (_NPER - 1) * (_NPER + 1), c)
    y = jnp.pad(y, ((0, 0), (0, 1), (0, 0)))
    return y


def kernel(edge_feats, node_feats, graph_feats, edge_feat_reflected, edge_index,
           idx_revs, W_jf, b_jf, W_if, b_if, W_ju, b_ju, W_iu, b_iu, W_ef, b_ef,
           W_ec, b_ec):
    E = edge_feats.shape[0]
    Bg = graph_feats.shape[0]

    u_edge = jnp.repeat(graph_feats, E // Bg, axis=0)
    ein = jnp.concatenate([edge_feats, u_edge], axis=-1)
    einr = jnp.concatenate([edge_feat_reflected, u_edge], axis=-1)
    efr = ein @ W_ef + b_ef
    efr_r = einr @ W_ef + b_ef
    logits = (efr * efr_r) @ W_ec + b_ec
    u = jax.random.uniform(jax.random.key(1234), logits.shape, minval=1e-6,
                           maxval=1.0 - 1e-6, dtype=logits.dtype)
    g = -jnp.log(-jnp.log(u))
    canon = jnp.minimum(jnp.arange(E), idx_revs)
    g = g[canon]
    y_soft = jax.nn.softmax(logits + g, axis=-1)
    flag0 = jax.nn.one_hot(jnp.argmax(y_soft, axis=-1), 2,
                           dtype=y_soft.dtype)[:, 0]

    ed = _densify(edge_feats, Bg)
    er = _densify(edge_feat_reflected, Bg)
    fld = _densify(flag0[:, None], Bg)[:, :, 0]
    nf3 = node_feats.reshape(Bg, _NPER, 64)

    b_jf2 = b_jf.reshape(1, -1)
    b_ju2 = b_ju.reshape(1, -1)
    b_if2 = b_if.reshape(1, -1)
    b_iu2 = b_iu.reshape(1, -1)

    G = 2
    grid = (Bg // G,)

    out = pl.pallas_call(
        _mrf_block,
        grid=grid,
        in_specs=[
            pl.BlockSpec((G, _ED, 64), lambda i: (i, 0, 0)),
            pl.BlockSpec((G, _ED, 64), lambda i: (i, 0, 0)),
            pl.BlockSpec((G, _NPER, 64), lambda i: (i, 0, 0)),
            pl.BlockSpec((G, 1, 32), lambda i: (i, 0, 0)),
            pl.BlockSpec((G, 1, _ED), lambda i: (i, 0, 0)),
            pl.BlockSpec((96, 64), lambda i: (0, 0)),
            pl.BlockSpec((1, 64), lambda i: (0, 0)),
            pl.BlockSpec((96, 64), lambda i: (0, 0)),
            pl.BlockSpec((1, 64), lambda i: (0, 0)),
            pl.BlockSpec((96, _A), lambda i: (0, 0)),
            pl.BlockSpec((1, _A), lambda i: (0, 0)),
            pl.BlockSpec((96, _A), lambda i: (0, 0)),
            pl.BlockSpec((1, _A), lambda i: (0, 0)),
        ],
        out_specs=pl.BlockSpec((G, 1, _A), lambda i: (i, 0, 0)),
        out_shape=jax.ShapeDtypeStruct((Bg, 1, _A), jnp.float32),
    )(ed, er, nf3, graph_feats.reshape(Bg, 1, 32), fld.reshape(Bg, 1, _ED),
      W_jf, b_jf2, W_ju, b_ju2, W_if, b_if2, W_iu, b_iu2)
    return out.reshape(Bg, _A)

# --- scband reference (transcript-rebuilt; emitter-appended) ---
"""Pipeline reference for scband-mrfmessage-passing-module-82343112999097 (READ-ONLY COPY).

The authoritative reference and input builder live on the scoring server;
editing this copy changes nothing except your own understanding.
"""

import jax, jax.numpy as jnp
import numpy as np

B = 256
N_PER = 16
E_PER = N_PER * (N_PER - 1)
N = B * N_PER
E = B * E_PER
D_NODE = 64
D_EDGE = 64
D_U = 32
MID_PAIR = 8
NUM_ACTS = 8


def _build_graph():
    pairs = [(i, j) for i in range(N_PER) for j in range(N_PER) if i != j]
    pos = {p: e for e, p in enumerate(pairs)}
    src_l = np.array([p[0] for p in pairs], dtype=np.int64)
    dst_l = np.array([p[1] for p in pairs], dtype=np.int64)
    rev_l = np.array([pos[(j, i)] for (i, j) in pairs], dtype=np.int64)
    offs_n = np.arange(B, dtype=np.int64)[:, None] * N_PER
    offs_e = np.arange(B, dtype=np.int64)[:, None] * E_PER
    src = (offs_n + src_l[None, :]).reshape(-1)
    dst = (offs_n + dst_l[None, :]).reshape(-1)
    idx_revs = (offs_e + rev_l[None, :]).reshape(-1)
    return np.stack([src, dst], axis=0), idx_revs


def _lin(k, fin, fout):
    k1, k2 = jax.random.split(k)
    lim = 1.0 / np.sqrt(fin)
    W = jax.random.uniform(k1, (fin, fout), minval=-lim, maxval=lim, dtype=jnp.float32)
    b = jax.random.uniform(k2, (fout,), minval=-lim, maxval=lim, dtype=jnp.float32)
    return W, b


def setup_inputs(seed: int = 0) -> dict:
    key = jax.random.key(seed)
    ks = jax.random.split(key, 12)
    edge_index_np, idx_revs_np = _build_graph()
    edge_index = jnp.asarray(edge_index_np)
    idx_revs = jnp.asarray(idx_revs_np)
    W_jf, b_jf = _lin(ks[0], D_EDGE + D_U, NUM_ACTS * MID_PAIR)
    W_if, b_if = _lin(ks[1], D_NODE + D_U, NUM_ACTS)
    W_ju, b_ju = _lin(ks[2], D_EDGE + D_U, NUM_ACTS * MID_PAIR)
    W_iu, b_iu = _lin(ks[3], D_NODE + D_U, NUM_ACTS)
    W_ef, b_ef = _lin(ks[4], D_EDGE + D_U, MID_PAIR)
    W_ec, b_ec = _lin(ks[5], MID_PAIR, 2)
    edge_feats = jax.random.normal(ks[6], (E, D_EDGE), dtype=jnp.float32)
    edge_feat_reflected = edge_feats[idx_revs]
    node_feats = jax.random.normal(ks[7], (N, D_NODE), dtype=jnp.float32)
    graph_feats = jax.random.normal(ks[8], (B, D_U), dtype=jnp.float32)
    return {"edge_feats": edge_feats, "node_feats": node_feats, "graph_feats": graph_feats, "edge_feat_reflected": edge_feat_reflected, "edge_index": edge_index, "idx_revs": idx_revs, "W_jf": W_jf, "b_jf": b_jf, "W_if": W_if, "b_if": b_if, "W_ju": W_ju, "b_ju": b_ju, "W_iu": W_iu, "b_iu": b_iu, "W_ef": W_ef, "b_ef": b_ef, "W_ec": W_ec, "b_ec": b_ec}


def _gumbel_softmax(logits, idx_revs, tau=1.0):
    # Deterministic fixed-key gumbel-softmax (hard, straight-through).
    # Noise is shared between an edge and its reverse via the canonical (min) edge id
    # so that edge flags are symmetric, as implied by the idx_revs argument.
    key = jax.random.key(1234)
    u = jax.random.uniform(key, logits.shape, minval=1e-6, maxval=1.0 - 1e-6, dtype=logits.dtype)
    g = -jnp.log(-jnp.log(u))
    eid = jnp.arange(logits.shape[0])
    canon = jnp.minimum(eid, idx_revs)
    g = g[canon]
    y_soft = jax.nn.softmax((logits + g) / tau, axis=-1)
    y_hard = jax.nn.one_hot(jnp.argmax(y_soft, axis=-1), logits.shape[-1], dtype=y_soft.dtype)
    return jax.lax.stop_gradient(y_hard - y_soft) + y_soft


def reference(edge_feats, node_feats, graph_feats, edge_feat_reflected, edge_index, idx_revs, W_jf, b_jf, W_if, b_if, W_ju, b_ju, W_iu, b_iu, W_ef, b_ef, W_ec, b_ec):
    Bg = graph_feats.shape[0]
    Nn = node_feats.shape[0]
    Ee = edge_feats.shape[0]
    n_per = Nn // Bg
    e_per = Ee // Bg
    A = b_if.shape[0]
    mid = b_ef.shape[0]
    # broadcast per-graph global features onto edges/nodes (equal-size graphs)
    u_edge = jnp.repeat(graph_feats, e_per, axis=0)
    u_node = jnp.repeat(graph_feats, n_per, axis=0)
    nin = jnp.concatenate([node_feats, u_node], axis=-1)
    indiv_factor = nin @ W_if + b_if
    indiv_util = nin @ W_iu + b_iu
    ein = jnp.concatenate([edge_feats, u_edge], axis=-1)
    einr = jnp.concatenate([edge_feat_reflected, u_edge], axis=-1)
    factor_comp = (ein @ W_jf + b_jf).reshape(Ee, A, mid)
    factor_comp_r = jnp.transpose((einr @ W_jf + b_jf).reshape(Ee, A, mid), (0, 2, 1))
    util_comp = (ein @ W_ju + b_ju).reshape(Ee, A, mid)
    util_comp_r = jnp.transpose((einr @ W_ju + b_ju).reshape(Ee, A, mid), (0, 2, 1))
    factor_vals = jnp.matmul(factor_comp, factor_comp_r)
    util_vals = jnp.matmul(util_comp, util_comp_r)
    efr = ein @ W_ef + b_ef
    efr_r = einr @ W_ef + b_ef
    logits = (efr * efr_r) @ W_ec + b_ec
    edge_flags = _gumbel_softmax(logits, idx_revs)
    flag0 = edge_flags[:, 0:1]
    src = edge_index[0]
    dst = edge_index[1]
    init = (jnp.zeros((Nn, A), jnp.float32), jnp.zeros((Nn, A), jnp.float32), jnp.zeros((Ee, A), jnp.float32), jnp.zeros((Ee, A), jnp.float32), jnp.zeros((Ee, A), jnp.float32), jnp.zeros((Ee, A), jnp.float32))

    def step(carry, _):
        model_msg, node_util, e_msg, e_rev_msg, e_util, e_rev_util = carry
        agg = model_msg[src] - e_rev_msg + indiv_factor[src]
        m = factor_vals + agg[:, None, :]
        m_sum = jax.nn.log_softmax(jax.scipy.special.logsumexp(m, axis=-1), axis=-1)
        msg = m_sum * flag0
        agg_rev = model_msg[dst] - e_msg + indiv_factor[dst]
        m_rev = jnp.transpose(factor_vals, (0, 2, 1)) + agg_rev[:, None, :]
        m_rev_sum = jax.nn.log_softmax(jax.scipy.special.logsumexp(m_rev, axis=-1), axis=-1)
        msg_rev = m_rev_sum * flag0
        util = node_util[src] - e_rev_util + indiv_util[src]
        tum = util_vals + util[:, None, :]
        m_norm = jax.nn.softmax(m, axis=-1)
        util_msg = jnp.sum(tum * m_norm, axis=-1) * flag0
        rev_util = node_util[dst] - e_util + indiv_util[dst]
        rtum = jnp.transpose(util_vals, (0, 2, 1)) + rev_util[:, None, :]
        m_rev_norm = jax.nn.softmax(m_rev, axis=-1)
        rev_util_msg = jnp.sum(rtum * m_rev_norm, axis=-1) * flag0
        new_model = jax.ops.segment_sum(msg, dst, num_segments=Nn)
        new_node_util = jax.ops.segment_sum(util_msg, dst, num_segments=Nn)
        return (new_model, new_node_util, msg, msg_rev, util_msg, rev_util_msg), None

    carry, _ = jax.lax.scan(step, init, None, length=n_per)
    node_util_final = carry[1]
    # node 0 of each (equal-size) graph
    out = (node_util_final + indiv_util)[::n_per]
    return out

if __name__ == "__main__":
    import jax
    _d = setup_inputs()
    print(jax.jit(kernel)(*tuple(_d.values())))

</pallas_src>

<mosaic_0001>
module attributes {stable_mosaic.version = 14 : i64} {
  func.func @_mrf_block(%arg0: i32, %arg1: memref<2x256x64xf32, #tpu.memory_space<vmem>>, %arg2: memref<2x256x64xf32, #tpu.memory_space<vmem>>, %arg3: memref<2x16x64xf32, #tpu.memory_space<vmem>>, %arg4: memref<2x1x32xf32, #tpu.memory_space<vmem>>, %arg5: memref<2x1x256xf32, #tpu.memory_space<vmem>>, %arg6: memref<96x64xf32, #tpu.memory_space<vmem>>, %arg7: memref<1x64xf32, #tpu.memory_space<vmem>>, %arg8: memref<96x64xf32, #tpu.memory_space<vmem>>, %arg9: memref<1x64xf32, #tpu.memory_space<vmem>>, %arg10: memref<96x8xf32, #tpu.memory_space<vmem>>, %arg11: memref<1x8xf32, #tpu.memory_space<vmem>>, %arg12: memref<96x8xf32, #tpu.memory_space<vmem>>, %arg13: memref<1x8xf32, #tpu.memory_space<vmem>>, %arg14: memref<2x1x8xf32, #tpu.memory_space<vmem>>) attributes {dimension_semantics = [#tpu.dimension_semantics<arbitrary>], iteration_bounds = array<i64: 128>, scalar_prefetch = 0 : i64, scratch_operands = 0 : i64, tpu.core_type = #tpu.core_type<tc>, window_params = [{transform_indices = @transform_0, window_bounds = array<i64: 2, 256, 64>}, {transform_indices = @transform_1, window_bounds = array<i64: 2, 256, 64>}, {transform_indices = @transform_2, window_bounds = array<i64: 2, 16, 64>}, {transform_indices = @transform_3, window_bounds = array<i64: 2, 1, 32>}, {transform_indices = @transform_4, window_bounds = array<i64: 2, 1, 256>}, {pipeline_mode = #tpu.pipeline_mode<synchronous>, transform_indices = @transform_5, window_bounds = array<i64: 96, 64>}, {pipeline_mode = #tpu.pipeline_mode<synchronous>, transform_indices = @transform_6, window_bounds = array<i64: 1, 64>}, {pipeline_mode = #tpu.pipeline_mode<synchronous>, transform_indices = @transform_7, window_bounds = array<i64: 96, 64>}, {pipeline_mode = #tpu.pipeline_mode<synchronous>, transform_indices = @transform_8, window_bounds = array<i64: 1, 64>}, {pipeline_mode = #tpu.pipeline_mode<synchronous>, transform_indices = @transform_9, window_bounds = array<i64: 96, 8>}, {pipeline_mode = #tpu.pipeline_mode<synchronous>, transform_indices = @transform_10, window_bounds = array<i64: 1, 8>}, {pipeline_mode = #tpu.pipeline_mode<synchronous>, transform_indices = @transform_11, window_bounds = array<i64: 96, 8>}, {pipeline_mode = #tpu.pipeline_mode<synchronous>, transform_indices = @transform_12, window_bounds = array<i64: 1, 8>}, {transform_indices = @transform_13, window_bounds = array<i64: 2, 1, 8>}]} {
    %get3A = arith.constant 0 : index
    %get3A_0 = arith.constant 0 : index
    %get3A_1 = arith.constant 0 : index
    %get3A_2 = vector.load %arg1[%get3A, %get3A_0, %get3A_1] : memref<2x256x64xf32, #tpu.memory_space<vmem>>, vector<2x256x64xf32>
    %reshape3A = vector.shape_cast %get3A_2 : vector<2x256x64xf32> to vector<512x64xf32>
    %get3A_3 = arith.constant 0 : index
    %get3A_4 = arith.constant 0 : index
    %get3A_5 = arith.constant 0 : index
    %get3A_6 = vector.load %arg2[%get3A_3, %get3A_4, %get3A_5] : memref<2x256x64xf32, #tpu.memory_space<vmem>>, vector<2x256x64xf32>
    %reshape3A_7 = vector.shape_cast %get3A_6 : vector<2x256x64xf32> to vector<512x64xf32>
    %get3A_8 = arith.constant 0 : index
    %get3A_9 = arith.constant 0 : index
    %get3A_10 = arith.constant 0 : index
    %get3A_11 = vector.load %arg4[%get3A_8, %get3A_9, %get3A_10] : memref<2x1x32xf32, #tpu.memory_space<vmem>>, vector<2x1x32xf32>
    %reshape3A_12 = vector.shape_cast %get3A_11 : vector<2x1x32xf32> to vector<2x32xf32>
    %get3A_13 = arith.constant 0 : index
    %get3A_14 = arith.constant 0 : index
    %get3A_15 = vector.load %arg6[%get3A_13, %get3A_14] : memref<96x64xf32, #tpu.memory_space<vmem>>, vector<96x64xf32>
    %slice3A = vector.extract_strided_slice %get3A_15 {offsets = [64, 0], sizes = [32, 64], strides = [1, 1]} : vector<96x64xf32> to vector<32x64xf32>
    %dot_general3A = arith.constant dense<0.000000e+00> : vector<2x64xf32>
    %dot_general3A_16 = tpu.matmul %reshape3A_12, %slice3A, %dot_general3A {dimension_numbers = #tpu.dot_dimension_numbers<[1], [0], [0], [1], [0, 0, 1, 1], [], []>, precision = #tpu.contract_precision<fp32>, transpose_lhs_hint = false} : vector<2x32xf32>, vector<32x64xf32>, vector<2x64xf32> -> vector<2x64xf32>
    %get3A_17 = arith.constant 0 : index
    %get3A_18 = arith.constant 0 : index
    %get3A_19 = vector.load %arg7[%get3A_17, %get3A_18] : memref<1x64xf32, #tpu.memory_space<vmem>>, vector<1x64xf32>
    %add3A = vector.broadcast %get3A_19 : vector<1x64xf32> to vector<2x64xf32>
    %add3A_20 = arith.addf %dot_general3A_16, %add3A : vector<2x64xf32>
    %slice3A_21 = vector.extract_strided_slice %get3A_15 {offsets = [0, 0], sizes = [64, 64], strides = [1, 1]} : vector<96x64xf32> to vector<64x64xf32>
    %dot_general3A_22 = arith.constant dense<0.000000e+00> : vector<512x64xf32>
    %dot_general3A_23 = tpu.matmul %reshape3A, %slice3A_21, %dot_general3A_22 {dimension_numbers = #tpu.dot_dimension_numbers<[1], [0], [0], [1], [0, 0, 1, 1], [], []>, precision = #tpu.contract_precision<fp32>, transpose_lhs_hint = false} : vector<512x64xf32>, vector<64x64xf32>, vector<512x64xf32> -> vector<512x64xf32>
    %slice3A_24 = vector.extract_strided_slice %get3A_15 {offsets = [0, 0], sizes = [64, 64], strides = [1, 1]} : vector<96x64xf32> to vector<64x64xf32>
    %dot_general3A_25 = arith.constant dense<0.000000e+00> : vector<512x64xf32>
    %dot_general3A_26 = tpu.matmul %reshape3A_7, %slice3A_24, %dot_general3A_25 {dimension_numbers = #tpu.dot_dimension_numbers<[1], [0], [0], [1], [0, 0, 1, 1], [], []>, precision = #tpu.contract_precision<fp32>, transpose_lhs_hint = false} : vector<512x64xf32>, vector<64x64xf32>, vector<512x64xf32> -> vector<512x64xf32>
    %reshape3A_27 = vector.shape_cast %dot_general3A_23 : vector<512x64xf32> to vector<2x256x64xf32>
    %broadcast_in_dim3A = vector.shape_cast %add3A_20 : vector<2x64xf32> to vector<2x1x64xf32>
    %add3A_28 = vector.broadcast %broadcast_in_dim3A : vector<2x1x64xf32> to vector<2x256x64xf32>
    %add3A_29 = arith.addf %reshape3A_27, %add3A_28 : vector<2x256x64xf32>
    %reshape3A_30 = vector.shape_cast %add3A_29 : vector<2x256x64xf32> to vector<512x64xf32>
    %reshape3A_31 = vector.shape_cast %dot_general3A_26 : vector<512x64xf32> to vector<2x256x64xf32>
    %broadcast_in_dim3A_32 = vector.shape_cast %add3A_20 : vector<2x64xf32> to vector<2x1x64xf32>
    %add3A_33 = vector.broadcast %broadcast_in_dim3A_32 : vector<2x1x64xf32> to vector<2x256x64xf32>
    %add3A_34 = arith.addf %reshape3A_31, %add3A_33 : vector<2x256x64xf32>
    %reshape3A_35 = vector.shape_cast %add3A_34 : vector<2x256x64xf32> to vector<512x64xf32>
    %transpose3A = tpu.transpose %reshape3A_30, [1, 0] : vector<512x64xf32> -> vector<64x512xf32>
    %transpose3A_36 = tpu.transpose %reshape3A_35, [1, 0] : vector<512x64xf32> -> vector<64x512xf32>
    %get3A_37 = arith.constant 0 : index
    %get3A_38 = arith.constant 0 : index
    %get3A_39 = vector.load %arg8[%get3A_37, %get3A_38] : memref<96x64xf32, #tpu.memory_space<vmem>>, vector<96x64xf32>
    %slice3A_40 = vector.extract_strided_slice %get3A_39 {offsets = [64, 0], sizes = [32, 64], strides = [1, 1]} : vector<96x64xf32> to vector<32x64xf32>
    %dot_general3A_41 = arith.constant dense<0.000000e+00> : vector<2x64xf32>
    %dot_general3A_42 = tpu.matmul %reshape3A_12, %slice3A_40, %dot_general3A_41 {dimension_numbers = #tpu.dot_dimension_numbers<[1], [0], [0], [1], [0, 0, 1, 1], [], []>, precision = #tpu.contract_precision<fp32>, transpose_lhs_hint = false} : vector<2x32xf32>, vector<32x64xf32>, vector<2x64xf32> -> vector<2x64xf32>
    %get3A_43 = arith.constant 0 : index
    %get3A_44 = arith.constant 0 : index
    %get3A_45 = vector.load %arg9[%get3A_43, %get3A_44] : memref<1x64xf32, #tpu.memory_space<vmem>>, vector<1x64xf32>
    %add3A_46 = vector.broadcast %get3A_45 : vector<1x64xf32> to vector<2x64xf32>
    %add3A_47 = arith.addf %dot_general3A_42, %add3A_46 : vector<2x64xf32>
    %slice3A_48 = vector.extract_strided_slice %get3A_39 {offsets = [0, 0], sizes = [64, 64], strides = [1, 1]} : vector<96x64xf32> to vector<64x64xf32>
    %dot_general3A_49 = arith.constant dense<0.000000e+00> : vector<512x64xf32>
    %dot_general3A_50 = tpu.matmul %reshape3A, %slice3A_48, %dot_general3A_49 {dimension_numbers = #tpu.dot_dimension_numbers<[1], [0], [0], [1], [0, 0, 1, 1], [], []>, precision = #tpu.contract_precision<fp32>, transpose_lhs_hint = false} : vector<512x64xf32>, vector<64x64xf32>, vector<512x64xf32> -> vector<512x64xf32>
    %slice3A_51 = vector.extract_strided_slice %get3A_39 {offsets = [0, 0], sizes = [64, 64], strides = [1, 1]} : vector<96x64xf32> to vector<64x64xf32>
    %dot_general3A_52 = arith.constant dense<0.000000e+00> : vector<512x64xf32>
    %dot_general3A_53 = tpu.matmul %reshape3A_7, %slice3A_51, %dot_general3A_52 {dimension_numbers = #tpu.dot_dimension_numbers<[1], [0], [0], [1], [0, 0, 1, 1], [], []>, precision = #tpu.contract_precision<fp32>, transpose_lhs_hint = false} : vector<512x64xf32>, vector<64x64xf32>, vector<512x64xf32> -> vector<512x64xf32>
    %reshape3A_54 = vector.shape_cast %dot_general3A_50 : vector<512x64xf32> to vector<2x256x64xf32>
    %broadcast_in_dim3A_55 = vector.shape_cast %add3A_47 : vector<2x64xf32> to vector<2x1x64xf32>
    %add3A_56 = vector.broadcast %broadcast_in_dim3A_55 : vector<2x1x64xf32> to vector<2x256x64xf32>
    %add3A_57 = arith.addf %reshape3A_54, %add3A_56 : vector<2x256x64xf32>
    %reshape3A_58 = vector.shape_cast %add3A_57 : vector<2x256x64xf32> to vector<512x64xf32>
    %reshape3A_59 = vector.shape_cast %dot_general3A_53 : vector<512x64xf32> to vector<2x256x64xf32>
    %broadcast_in_dim3A_60 = vector.shape_cast %add3A_47 : vector<2x64xf32> to vector<2x1x64xf32>
    %add3A_61 = vector.broadcast %broadcast_in_dim3A_60 : vector<2x1x64xf32> to vector<2x256x64xf32>
    %add3A_62 = arith.addf %reshape3A_59, %add3A_61 : vector<2x256x64xf32>
    %reshape3A_63 = vector.shape_cast %add3A_62 : vector<2x256x64xf32> to vector<512x64xf32>
    %transpose3A_64 = tpu.transpose %reshape3A_58, [1, 0] : vector<512x64xf32> -> vector<64x512xf32>
    %transpose3A_65 = tpu.transpose %reshape3A_63, [1, 0] : vector<512x64xf32> -> vector<64x512xf32>
    %get3A_66 = arith.constant 0 : index
    %get3A_67 = arith.constant 0 : index
    %get3A_68 = arith.constant 0 : index
    %get3A_69 = vector.load %arg5[%get3A_66, %get3A_67, %get3A_68] : memref<2x1x256xf32, #tpu.memory_space<vmem>>, vector<2x1x256xf32>
    %reshape3A_70 = vector.shape_cast %get3A_69 : vector<2x1x256xf32> to vector<1x512xf32>
    %get3A_71 = arith.constant 0 : index
    %get3A_72 = arith.constant 0 : index
    %get3A_73 = vector.load %arg10[%get3A_71, %get3A_72] : memref<96x8xf32, #tpu.memory_space<vmem>>, vector<96x8xf32>
    %get3A_74 = arith.constant 0 : index
    %get3A_75 = arith.constant 0 : index
    %get3A_76 = arith.constant 0 : index
    %get3A_77 = vector.load %arg3[%get3A_74, %get3A_75, %get3A_76] : memref<2x16x64xf32, #tpu.memory_space<vmem>>, vector<2x16x64xf32>
    %reshape3A_78 = vector.shape_cast %get3A_77 : vector<2x16x64xf32> to vector<32x64xf32>
    %slice3A_79 = vector.extract_strided_slice %get3A_73 {offsets = [64, 0], sizes = [32, 8], strides = [1, 1]} : vector<96x8xf32> to vector<32x8xf32>
    %dot_general3A_80 = arith.constant dense<0.000000e+00> : vector<2x8xf32>
    %dot_general3A_81 = tpu.matmul %reshape3A_12, %slice3A_79, %dot_general3A_80 {dimension_numbers = #tpu.dot_dimension_numbers<[1], [0], [0], [1], [0, 0, 1, 1], [], []>, precision = #tpu.contract_precision<fp32>, transpose_lhs_hint = false} : vector<2x32xf32>, vector<32x8xf32>, vector<2x8xf32> -> vector<2x8xf32>
    %get3A_82 = arith.constant 0 : index
    %get3A_83 = arith.constant 0 : index
    %get3A_84 = vector.load %arg11[%get3A_82, %get3A_83] : memref<1x8xf32, #tpu.memory_space<vmem>>, vector<1x8xf32>
    %add3A_85 = vector.broadcast %get3A_84 : vector<1x8xf32> to vector<2x8xf32>
    %add3A_86 = arith.addf %dot_general3A_81, %add3A_85 : vector<2x8xf32>
    %slice3A_87 = vector.extract_strided_slice %get3A_73 {offsets = [0, 0], sizes = [64, 8], strides = [1, 1]} : vector<96x8xf32> to vector<64x8xf32>
    %dot_general3A_88 = arith.constant dense<0.000000e+00> : vector<32x8xf32>
    %dot_general3A_89 = tpu.matmul %reshape3A_78, %slice3A_87, %dot_general3A_88 {dimension_numbers = #tpu.dot_dimension_numbers<[1], [0], [0], [1], [0, 0, 1, 1], [], []>, precision = #tpu.contract_precision<fp32>, transpose_lhs_hint = false} : vector<32x64xf32>, vector<64x8xf32>, vector<32x8xf32> -> vector<32x8xf32>
    %reshape3A_90 = vector.shape_cast %dot_general3A_89 : vector<32x8xf32> to vector<2x16x8xf32>
    %broadcast_in_dim3A_91 = vector.shape_cast %add3A_86 : vector<2x8xf32> to vector<2x1x8xf32>
    %add3A_92 = vector.broadcast %broadcast_in_dim3A_91 : vector<2x1x8xf32> to vector<2x16x8xf32>
    %add3A_93 = arith.addf %reshape3A_90, %add3A_92 : vector<2x16x8xf32>
    %reshape3A_94 = vector.shape_cast %add3A_93 : vector<2x16x8xf32> to vector<32x8xf32>
    %transpose3A_95 = tpu.transpose %reshape3A_94, [1, 0] : vector<32x8xf32> -> vector<8x32xf32>
    %get3A_96 = arith.constant 0 : index
    %get3A_97 = arith.constant 0 : index
    %get3A_98 = vector.load %arg12[%get3A_96, %get3A_97] : memref<96x8xf32, #tpu.memory_space<vmem>>, vector<96x8xf32>
    %get3A_99 = arith.constant 0 : index
    %get3A_100 = arith.constant 0 : index
    %get3A_101 = arith.constant 0 : index
    %get3A_102 = vector.load %arg3[%get3A_99, %get3A_100, %get3A_101] : memref<2x16x64xf32, #tpu.memory_space<vmem>>, vector<2x16x64xf32>
    %reshape3A_103 = vector.shape_cast %get3A_102 : vector<2x16x64xf32> to vector<32x64xf32>
    %slice3A_104 = vector.extract_strided_slice %get3A_98 {offsets = [64, 0], sizes = [32, 8], strides = [1, 1]} : vector<96x8xf32> to vector<32x8xf32>
    %dot_general3A_105 = arith.constant dense<0.000000e+00> : vector<2x8xf32>
    %dot_general3A_106 = tpu.matmul %reshape3A_12, %slice3A_104, %dot_general3A_105 {dimension_numbers = #tpu.dot_dimension_numbers<[1], [0], [0], [1], [0, 0, 1, 1], [], []>, precision = #tpu.contract_precision<fp32>, transpose_lhs_hint = false} : vector<2x32xf32>, vector<32x8xf32>, vector<2x8xf32> -> vector<2x8xf32>
    %get3A_107 = arith.constant 0 : index
    %get3A_108 = arith.constant 0 : index
    %get3A_109 = vector.load %arg13[%get3A_107, %get3A_108] : memref<1x8xf32, #tpu.memory_space<vmem>>, vector<1x8xf32>
    %add3A_110 = vector.broadcast %get3A_109 : vector<1x8xf32> to vector<2x8xf32>
    %add3A_111 = arith.addf %dot_general3A_106, %add3A_110 : vector<2x8xf32>
    %slice3A_112 = vector.extract_strided_slice %get3A_98 {offsets = [0, 0], sizes = [64, 8], strides = [1, 1]} : vector<96x8xf32> to vector<64x8xf32>
    %dot_general3A_113 = arith.constant dense<0.000000e+00> : vector<32x8xf32>
    %dot_general3A_114 = tpu.matmul %reshape3A_103, %slice3A_112, %dot_general3A_113 {dimension_numbers = #tpu.dot_dimension_numbers<[1], [0], [0], [1], [0, 0, 1, 1], [], []>, precision = #tpu.contract_precision<fp32>, transpose_lhs_hint = false} : vector<32x64xf32>, vector<64x8xf32>, vector<32x8xf32> -> vector<32x8xf32>
    %reshape3A_115 = vector.shape_cast %dot_general3A_114 : vector<32x8xf32> to vector<2x16x8xf32>
    %broadcast_in_dim3A_116 = vector.shape_cast %add3A_111 : vector<2x8xf32> to vector<2x1x8xf32>
    %add3A_117 = vector.broadcast %broadcast_in_dim3A_116 : vector<2x1x8xf32> to vector<2x16x8xf32>
    %add3A_118 = arith.addf %reshape3A_115, %add3A_117 : vector<2x16x8xf32>
    %reshape3A_119 = vector.shape_cast %add3A_118 : vector<2x16x8xf32> to vector<32x8xf32>
    %transpose3A_120 = tpu.transpose %reshape3A_119, [1, 0] : vector<32x8xf32> -> vector<8x32xf32>
    %reshape3A_121 = vector.shape_cast %transpose3A : vector<64x512xf32> to vector<8x8x512xf32>
    %reshape3A_122 = vector.shape_cast %transpose3A_36 : vector<64x512xf32> to vector<8x8x512xf32>
    %reshape3A_123 = vector.shape_cast %transpose3A_64 : vector<64x512xf32> to vector<8x8x512xf32>
    %reshape3A_124 = vector.shape_cast %transpose3A_65 : vector<64x512xf32> to vector<8x8x512xf32>
    %slice3A_125 = vector.extract_strided_slice %reshape3A_121 {offsets = [0, 0, 0], sizes = [8, 1, 512], strides = [1, 1, 1]} : vector<8x8x512xf32> to vector<8x1x512xf32>
    %squeeze3A = vector.shape_cast %slice3A_125 : vector<8x1x512xf32> to vector<8x512xf32>
    %broadcast_in_dim3A_126 = vector.shape_cast %squeeze3A : vector<8x512xf32> to vector<8x1x512xf32>
    %slice3A_127 = vector.extract_strided_slice %reshape3A_122 {offsets = [0, 0, 0], sizes = [8, 1, 512], strides = [1, 1, 1]} : vector<8x8x512xf32> to vector<8x1x512xf32>
    %squeeze3A_128 = vector.shape_cast %slice3A_127 : vector<8x1x512xf32> to vector<8x512xf32>
    %broadcast_in_dim3A_129 = vector.shape_cast %squeeze3A_128 : vector<8x512xf32> to vector<1x8x512xf32>
    %mul3A = vector.broadcast %broadcast_in_dim3A_126 : vector<8x1x512xf32> to vector<8x8x512xf32>
    %mul3A_130 = vector.broadcast %broadcast_in_dim3A_129 : vector<1x8x512xf32> to vector<8x8x512xf32>
    %mul3A_131 = arith.mulf %mul3A, %mul3A_130 : vector<8x8x512xf32>
    %slice3A_132 = vector.extract_strided_slice %reshape3A_121 {offsets = [0, 1, 0], sizes = [8, 1, 512], strides = [1, 1, 1]} : vector<8x8x512xf32> to vector<8x1x512xf32>
    %squeeze3A_133 = vector.shape_cast %slice3A_132 : vector<8x1x512xf32> to vector<8x512xf32>
    %broadcast_in_dim3A_134 = vector.shape_cast %squeeze3A_133 : vector<8x512xf32> to vector<8x1x512xf32>
    %slice3A_135 = vector.extract_strided_slice %reshape3A_122 {offsets = [0, 1, 0], sizes = [8, 1, 512], strides = [1, 1, 1]} : vector<8x8x512xf32> to vector<8x1x512xf32>
    %squeeze3A_136 = vector.shape_cast %slice3A_135 : vector<8x1x512xf32> to vector<8x512xf32>
    %broadcast_in_dim3A_137 = vector.shape_cast %squeeze3A_136 : vector<8x512xf32> to vector<1x8x512xf32>
    %mul3A_138 = vector.broadcast %broadcast_in_dim3A_134 : vector<8x1x512xf32> to vector<8x8x512xf32>
    %mul3A_139 = vector.broadcast %broadcast_in_dim3A_137 : vector<1x8x512xf32> to vector<8x8x512xf32>
    %mul3A_140 = arith.mulf %mul3A_138, %mul3A_139 : vector<8x8x512xf32>
    %add3A_141 = arith.addf %mul3A_131, %mul3A_140 : vector<8x8x512xf32>
    %slice3A_142 = vector.extract_strided_slice %reshape3A_121 {offsets = [0, 2, 0], sizes = [8, 1, 512], strides = [1, 1, 1]} : vector<8x8x512xf32> to vector<8x1x512xf32>
    %squeeze3A_143 = vector.shape_cast %slice3A_142 : vector<8x1x512xf32> to vector<8x512xf32>
    %broadcast_in_dim3A_144 = vector.shape_cast %squeeze3A_143 : vector<8x512xf32> to vector<8x1x512xf32>
    %slice3A_145 = vector.extract_strided_slice %reshape3A_122 {offsets = [0, 2, 0], sizes = [8, 1, 512], strides = [1, 1, 1]} : vector<8x8x512xf32> to vector<8x1x512xf32>
    %squeeze3A_146 = vector.shape_cast %slice3A_145 : vector<8x1x512xf32> to vector<8x512xf32>
    %broadcast_in_dim3A_147 = vector.shape_cast %squeeze3A_146 : vector<8x512xf32> to vector<1x8x512xf32>
    %mul3A_148 = vector.broadcast %broadcast_in_dim3A_144 : vector<8x1x512xf32> to vector<8x8x512xf32>
    %mul3A_149 = vector.broadcast %broadcast_in_dim3A_147 : vector<1x8x512xf32> to vector<8x8x512xf32>
    %mul3A_150 = arith.mulf %mul3A_148, %mul3A_149 : vector<8x8x512xf32>
    %add3A_151 = arith.addf %add3A_141, %mul3A_150 : vector<8x8x512xf32>
    %slice3A_152 = vector.extract_strided_slice %reshape3A_121 {offsets = [0, 3, 0], sizes = [8, 1, 512], strides = [1, 1, 1]} : vector<8x8x512xf32> to vector<8x1x512xf32>
    %squeeze3A_153 = vector.shape_cast %slice3A_152 : vector<8x1x512xf32> to vector<8x512xf32>
    %broadcast_in_dim3A_154 = vector.shape_cast %squeeze3A_153 : vector<8x512xf32> to vector<8x1x512xf32>
    %slice3A_155 = vector.extract_strided_slice %reshape3A_122 {offsets = [0, 3, 0], sizes = [8, 1, 512], strides = [1, 1, 1]} : vector<8x8x512xf32> to vector<8x1x512xf32>
    %squeeze3A_156 = vector.shape_cast %slice3A_155 : vector<8x1x512xf32> to vector<8x512xf32>
    %broadcast_in_dim3A_157 = vector.shape_cast %squeeze3A_156 : vector<8x512xf32> to vector<1x8x512xf32>
    %mul3A_158 = vector.broadcast %broadcast_in_dim3A_154 : vector<8x1x512xf32> to vector<8x8x512xf32>
    %mul3A_159 = vector.broadcast %broadcast_in_dim3A_157 : vector<1x8x512xf32> to vector<8x8x512xf32>
    %mul3A_160 = arith.mulf %mul3A_158, %mul3A_159 : vector<8x8x512xf32>
    %add3A_161 = arith.addf %add3A_151, %mul3A_160 : vector<8x8x512xf32>
    %slice3A_162 = vector.extract_strided_slice %reshape3A_121 {offsets = [0, 4, 0], sizes = [8, 1, 512], strides = [1, 1, 1]} : vector<8x8x512xf32> to vector<8x1x512xf32>
    %squeeze3A_163 = vector.shape_cast %slice3A_162 : vector<8x1x512xf32> to vector<8x512xf32>
    %broadcast_in_dim3A_164 = vector.shape_cast %squeeze3A_163 : vector<8x512xf32> to vector<8x1x512xf32>
    %slice3A_165 = vector.extract_strided_slice %reshape3A_122 {offsets = [0, 4, 0], sizes = [8, 1, 512], strides = [1, 1, 1]} : vector<8x8x512xf32> to vector<8x1x512xf32>
    %squeeze3A_166 = vector.shape_cast %slice3A_165 : vector<8x1x512xf32> to vector<8x512xf32>
    %broadcast_in_dim3A_167 = vector.shape_cast %squeeze3A_166 : vector<8x512xf32> to vector<1x8x512xf32>
    %mul3A_168 = vector.broadcast %broadcast_in_dim3A_164 : vector<8x1x512xf32> to vector<8x8x512xf32>
    %mul3A_169 = vector.broadcast %broadcast_in_dim3A_167 : vector<1x8x512xf32> to vector<8x8x512xf32>
    %mul3A_170 = arith.mulf %mul3A_168, %mul3A_169 : vector<8x8x512xf32>
    %add3A_171 = arith.addf %add3A_161, %mul3A_170 : vector<8x8x512xf32>
    %slice3A_172 = vector.extract_strided_slice %reshape3A_121 {offsets = [0, 5, 0], sizes = [8, 1, 512], strides = [1, 1, 1]} : vector<8x8x512xf32> to vector<8x1x512xf32>
    %squeeze3A_173 = vector.shape_cast %slice3A_172 : vector<8x1x512xf32> to vector<8x512xf32>
    %broadcast_in_dim3A_174 = vector.shape_cast %squeeze3A_173 : vector<8x512xf32> to vector<8x1x512xf32>
    %slice3A_175 = vector.extract_strided_slice %reshape3A_122 {offsets = [0, 5, 0], sizes = [8, 1, 512], strides = [1, 1, 1]} : vector<8x8x512xf32> to vector<8x1x512xf32>
    %squeeze3A_176 = vector.shape_cast %slice3A_175 : vector<8x1x512xf32> to vector<8x512xf32>
    %broadcast_in_dim3A_177 = vector.shape_cast %squeeze3A_176 : vector<8x512xf32> to vector<1x8x512xf32>
    %mul3A_178 = vector.broadcast %broadcast_in_dim3A_174 : vector<8x1x512xf32> to vector<8x8x512xf32>
    %mul3A_179 = vector.broadcast %broadcast_in_dim3A_177 : vector<1x8x512xf32> to vector<8x8x512xf32>
    %mul3A_180 = arith.mulf %mul3A_178, %mul3A_179 : vector<8x8x512xf32>
    %add3A_181 = arith.addf %add3A_171, %mul3A_180 : vector<8x8x512xf32>
    %slice3A_182 = vector.extract_strided_slice %reshape3A_121 {offsets = [0, 6, 0], sizes = [8, 1, 512], strides = [1, 1, 1]} : vector<8x8x512xf32> to vector<8x1x512xf32>
    %squeeze3A_183 = vector.shape_cast %slice3A_182 : vector<8x1x512xf32> to vector<8x512xf32>
    %broadcast_in_dim3A_184 = vector.shape_cast %squeeze3A_183 : vector<8x512xf32> to vector<8x1x512xf32>
    %slice3A_185 = vector.extract_strided_slice %reshape3A_122 {offsets = [0, 6, 0], sizes = [8, 1, 512], strides = [1, 1, 1]} : vector<8x8x512xf32> to vector<8x1x512xf32>
    %squeeze3A_186 = vector.shape_cast %slice3A_185 : vector<8x1x512xf32> to vector<8x512xf32>
    %broadcast_in_dim3A_187 = vector.shape_cast %squeeze3A_186 : vector<8x512xf32> to vector<1x8x512xf32>
    %mul3A_188 = vector.broadcast %broadcast_in_dim3A_184 : vector<8x1x512xf32> to vector<8x8x512xf32>
    %mul3A_189 = vector.broadcast %broadcast_in_dim3A_187 : vector<1x8x512xf32> to vector<8x8x512xf32>
    %mul3A_190 = arith.mulf %mul3A_188, %mul3A_189 : vector<8x8x512xf32>
    %add3A_191 = arith.addf %add3A_181, %mul3A_190 : vector<8x8x512xf32>
    %slice3A_192 = vector.extract_strided_slice %reshape3A_121 {offsets = [0, 7, 0], sizes = [8, 1, 512], strides = [1, 1, 1]} : vector<8x8x512xf32> to vector<8x1x512xf32>
    %squeeze3A_193 = vector.shape_cast %slice3A_192 : vector<8x1x512xf32> to vector<8x512xf32>
    %broadcast_in_dim3A_194 = vector.shape_cast %squeeze3A_193 : vector<8x512xf32> to vector<8x1x512xf32>
    %slice3A_195 = vector.extract_strided_slice %reshape3A_122 {offsets = [0, 7, 0], sizes = [8, 1, 512], strides = [1, 1, 1]} : vector<8x8x512xf32> to vector<8x1x512xf32>
    %squeeze3A_196 = vector.shape_cast %slice3A_195 : vector<8x1x512xf32> to vector<8x512xf32>
    %broadcast_in_dim3A_197 = vector.shape_cast %squeeze3A_196 : vector<8x512xf32> to vector<1x8x512xf32>
    %mul3A_198 = vector.broadcast %broadcast_in_dim3A_194 : vector<8x1x512xf32> to vector<8x8x512xf32>
    %mul3A_199 = vector.broadcast %broadcast_in_dim3A_197 : vector<1x8x512xf32> to vector<8x8x512xf32>
    %mul3A_200 = arith.mulf %mul3A_198, %mul3A_199 : vector<8x8x512xf32>
    %add3A_201 = arith.addf %add3A_191, %mul3A_200 : vector<8x8x512xf32>
    %slice3A_202 = vector.extract_strided_slice %reshape3A_123 {offsets = [0, 0, 0], sizes = [8, 1, 512], strides = [1, 1, 1]} : vector<8x8x512xf32> to vector<8x1x512xf32>
    %squeeze3A_203 = vector.shape_cast %slice3A_202 : vector<8x1x512xf32> to vector<8x512xf32>
    %broadcast_in_dim3A_204 = vector.shape_cast %squeeze3A_203 : vector<8x512xf32> to vector<8x1x512xf32>
    %slice3A_205 = vector.extract_strided_slice %reshape3A_124 {offsets = [0, 0, 0], sizes = [8, 1, 512], strides = [1, 1, 1]} : vector<8x8x512xf32> to vector<8x1x512xf32>
    %squeeze3A_206 = vector.shape_cast %slice3A_205 : vector<8x1x512xf32> to vector<8x512xf32>
    %broadcast_in_dim3A_207 = vector.shape_cast %squeeze3A_206 : vector<8x512xf32> to vector<1x8x512xf32>
    %mul3A_208 = vector.broadcast %broadcast_in_dim3A_204 : vector<8x1x512xf32> to vector<8x8x512xf32>
    %mul3A_209 = vector.broadcast %broadcast_in_dim3A_207 : vector<1x8x512xf32> to vector<8x8x512xf32>
    %mul3A_210 = arith.mulf %mul3A_208, %mul3A_209 : vector<8x8x512xf32>
    %slice3A_211 = vector.extract_strided_slice %reshape3A_123 {offsets = [0, 1, 0], sizes = [8, 1, 512], strides = [1, 1, 1]} : vector<8x8x512xf32> to vector<8x1x512xf32>
    %squeeze3A_212 = vector.shape_cast %slice3A_211 : vector<8x1x512xf32> to vector<8x512xf32>
    %broadcast_in_dim3A_213 = vector.shape_cast %squeeze3A_212 : vector<8x512xf32> to vector<8x1x512xf32>
    %slice3A_214 = vector.extract_strided_slice %reshape3A_124 {offsets = [0, 1, 0], sizes = [8, 1, 512], strides = [1, 1, 1]} : vector<8x8x512xf32> to vector<8x1x512xf32>
    %squeeze3A_215 = vector.shape_cast %slice3A_214 : vector<8x1x512xf32> to vector<8x512xf32>
    %broadcast_in_dim3A_216 = vector.shape_cast %squeeze3A_215 : vector<8x512xf32> to vector<1x8x512xf32>
    %mul3A_217 = vector.broadcast %broadcast_in_dim3A_213 : vector<8x1x512xf32> to vector<8x8x512xf32>
    %mul3A_218 = vector.broadcast %broadcast_in_dim3A_216 : vector<1x8x512xf32> to vector<8x8x512xf32>
    %mul3A_219 = arith.mulf %mul3A_217, %mul3A_218 : vector<8x8x512xf32>
    %add3A_220 = arith.addf %mul3A_210, %mul3A_219 : vector<8x8x512xf32>
    %slice3A_221 = vector.extract_strided_slice %reshape3A_123 {offsets = [0, 2, 0], sizes = [8, 1, 512], strides = [1, 1, 1]} : vector<8x8x512xf32> to vector<8x1x512xf32>
    %squeeze3A_222 = vector.shape_cast %slice3A_221 : vector<8x1x512xf32> to vector<8x512xf32>
    %broadcast_in_dim3A_223 = vector.shape_cast %squeeze3A_222 : vector<8x512xf32> to vector<8x1x512xf32>
    %slice3A_224 = vector.extract_strided_slice %reshape3A_124 {offsets = [0, 2, 0], sizes = [8, 1, 512], strides = [1, 1, 1]} : vector<8x8x512xf32> to vector<8x1x512xf32>
    %squeeze3A_225 = vector.shape_cast %slice3A_224 : vector<8x1x512xf32> to vector<8x512xf32>
    %broadcast_in_dim3A_226 = vector.shape_cast %squeeze3A_225 : vector<8x512xf32> to vector<1x8x512xf32>
    %mul3A_227 = vector.broadcast %broadcast_in_dim3A_223 : vector<8x1x512xf32> to vector<8x8x512xf32>
    %mul3A_228 = vector.broadcast %broadcast_in_dim3A_226 : vector<1x8x512xf32> to vector<8x8x512xf32>
    %mul3A_229 = arith.mulf %mul3A_227, %mul3A_228 : vector<8x8x512xf32>
    %add3A_230 = arith.addf %add3A_220, %mul3A_229 : vector<8x8x512xf32>
    %slice3A_231 = vector.extract_strided_slice %reshape3A_123 {offsets = [0, 3, 0], sizes = [8, 1, 512], strides = [1, 1, 1]} : vector<8x8x512xf32> to vector<8x1x512xf32>
    %squeeze3A_232 = vector.shape_cast %slice3A_231 : vector<8x1x512xf32> to vector<8x512xf32>
    %broadcast_in_dim3A_233 = vector.shape_cast %squeeze3A_232 : vector<8x512xf32> to vector<8x1x512xf32>
    %slice3A_234 = vector.extract_strided_slice %reshape3A_124 {offsets = [0, 3, 0], sizes = [8, 1, 512], strides = [1, 1, 1]} : vector<8x8x512xf32> to vector<8x1x512xf32>
    %squeeze3A_235 = vector.shape_cast %slice3A_234 : vector<8x1x512xf32> to vector<8x512xf32>
    %broadcast_in_dim3A_236 = vector.shape_cast %squeeze3A_235 : vector<8x512xf32> to vector<1x8x512xf32>
    %mul3A_237 = vector.broadcast %broadcast_in_dim3A_233 : vector<8x1x512xf32> to vector<8x8x512xf32>
    %mul3A_238 = vector.broadcast %broadcast_in_dim3A_236 : vector<1x8x512xf32> to vector<8x8x512xf32>
    %mul3A_239 = arith.mulf %mul3A_237, %mul3A_238 : vector<8x8x512xf32>
    %add3A_240 = arith.addf %add3A_230, %mul3A_239 : vector<8x8x512xf32>
    %slice3A_241 = vector.extract_strided_slice %reshape3A_123 {offsets = [0, 4, 0], sizes = [8, 1, 512], strides = [1, 1, 1]} : vector<8x8x512xf32> to vector<8x1x512xf32>
    %squeeze3A_242 = vector.shape_cast %slice3A_241 : vector<8x1x512xf32> to vector<8x512xf32>
    %broadcast_in_dim3A_243 = vector.shape_cast %squeeze3A_242 : vector<8x512xf32> to vector<8x1x512xf32>
    %slice3A_244 = vector.extract_strided_slice %reshape3A_124 {offsets = [0, 4, 0], sizes = [8, 1, 512], strides = [1, 1, 1]} : vector<8x8x512xf32> to vector<8x1x512xf32>
    %squeeze3A_245 = vector.shape_cast %slice3A_244 : vector<8x1x512xf32> to vector<8x512xf32>
    %broadcast_in_dim3A_246 = vector.shape_cast %squeeze3A_245 : vector<8x512xf32> to vector<1x8x512xf32>
    %mul3A_247 = vector.broadcast %broadcast_in_dim3A_243 : vector<8x1x512xf32> to vector<8x8x512xf32>
    %mul3A_248 = vector.broadcast %broadcast_in_dim3A_246 : vector<1x8x512xf32> to vector<8x8x512xf32>
    %mul3A_249 = arith.mulf %mul3A_247, %mul3A_248 : vector<8x8x512xf32>
    %add3A_250 = arith.addf %add3A_240, %mul3A_249 : vector<8x8x512xf32>
    %slice3A_251 = vector.extract_strided_slice %reshape3A_123 {offsets = [0, 5, 0], sizes = [8, 1, 512], strides = [1, 1, 1]} : vector<8x8x512xf32> to vector<8x1x512xf32>
    %squeeze3A_252 = vector.shape_cast %slice3A_251 : vector<8x1x512xf32> to vector<8x512xf32>
    %broadcast_in_dim3A_253 = vector.shape_cast %squeeze3A_252 : vector<8x512xf32> to vector<8x1x512xf32>
    %slice3A_254 = vector.extract_strided_slice %reshape3A_124 {offsets = [0, 5, 0], sizes = [8, 1, 512], strides = [1, 1, 1]} : vector<8x8x512xf32> to vector<8x1x512xf32>
    %squeeze3A_255 = vector.shape_cast %slice3A_254 : vector<8x1x512xf32> to vector<8x512xf32>
    %broadcast_in_dim3A_256 = vector.shape_cast %squeeze3A_255 : vector<8x512xf32> to vector<1x8x512xf32>
    %mul3A_257 = vector.broadcast %broadcast_in_dim3A_253 : vector<8x1x512xf32> to vector<8x8x512xf32>
    %mul3A_258 = vector.broadcast %broadcast_in_dim3A_256 : vector<1x8x512xf32> to vector<8x8x512xf32>
    %mul3A_259 = arith.mulf %mul3A_257, %mul3A_258 : vector<8x8x512xf32>
    %add3A_260 = arith.addf %add3A_250, %mul3A_259 : vector<8x8x512xf32>
    %slice3A_261 = vector.extract_strided_slice %reshape3A_123 {offsets = [0, 6, 0], sizes = [8, 1, 512], strides = [1, 1, 1]} : vector<8x8x512xf32> to vector<8x1x512xf32>
    %squeeze3A_262 = vector.shape_cast %slice3A_261 : vector<8x1x512xf32> to vector<8x512xf32>
    %broadcast_in_dim3A_263 = vector.shape_cast %squeeze3A_262 : vector<8x512xf32> to vector<8x1x512xf32>
    %slice3A_264 = vector.extract_strided_slice %reshape3A_124 {offsets = [0, 6, 0], sizes = [8, 1, 512], strides = [1, 1, 1]} : vector<8x8x512xf32> to vector<8x1x512xf32>
    %squeeze3A_265 = vector.shape_cast %slice3A_264 : vector<8x1x512xf32> to vector<8x512xf32>
    %broadcast_in_dim3A_266 = vector.shape_cast %squeeze3A_265 : vector<8x512xf32> to vector<1x8x512xf32>
    %mul3A_267 = vector.broadcast %broadcast_in_dim3A_263 : vector<8x1x512xf32> to vector<8x8x512xf32>
    %mul3A_268 = vector.broadcast %broadcast_in_dim3A_266 : vector<1x8x512xf32> to vector<8x8x512xf32>
    %mul3A_269 = arith.mulf %mul3A_267, %mul3A_268 : vector<8x8x512xf32>
    %add3A_270 = arith.addf %add3A_260, %mul3A_269 : vector<8x8x512xf32>
    %slice3A_271 = vector.extract_strided_slice %reshape3A_123 {offsets = [0, 7, 0], sizes = [8, 1, 512], strides = [1, 1, 1]} : vector<8x8x512xf32> to vector<8x1x512xf32>
    %squeeze3A_272 = vector.shape_cast %slice3A_271 : vector<8x1x512xf32> to vector<8x512xf32>
    %broadcast_in_dim3A_273 = vector.shape_cast %squeeze3A_272 : vector<8x512xf32> to vector<8x1x512xf32>
    %slice3A_274 = vector.extract_strided_slice %reshape3A_124 {offsets = [0, 7, 0], sizes = [8, 1, 512], strides = [1, 1, 1]} : vector<8x8x512xf32> to vector<8x1x512xf32>
    %squeeze3A_275 = vector.shape_cast %slice3A_274 : vector<8x1x512xf32> to vector<8x512xf32>
    %broadcast_in_dim3A_276 = vector.shape_cast %squeeze3A_275 : vector<8x512xf32> to vector<1x8x512xf32>
    %mul3A_277 = vector.broadcast %broadcast_in_dim3A_273 : vector<8x1x512xf32> to vector<8x8x512xf32>
    %mul3A_278 = vector.broadcast %broadcast_in_dim3A_276 : vector<1x8x512xf32> to vector<8x8x512xf32>
    %mul3A_279 = arith.mulf %mul3A_277, %mul3A_278 : vector<8x8x512xf32>
    %add3A_280 = arith.addf %add3A_270, %mul3A_279 : vector<8x8x512xf32>
    %transpose3A_281 = tpu.transpose %add3A_201, [1, 0, 2] : vector<8x8x512xf32> -> vector<8x8x512xf32>
    %transpose3A_282 = tpu.transpose %add3A_280, [1, 0, 2] : vector<8x8x512xf32> -> vector<8x8x512xf32>
    %iota3A = tpu.iota {dimensions = array<i32: 1>} : vector<32x512xi32>
    %iota3A_283 = tpu.iota {dimensions = array<i32: 0>} : vector<32x512xi32>
    %jit3A = arith.constant 16 : i32
    %div3A = vector.broadcast %jit3A : i32 to vector<32x512xi32>
    %div3A_284 = arith.divsi %iota3A_283, %div3A : vector<32x512xi32>
    %sign3A = arith.constant 0 : i32
    %sign3A_285 = vector.broadcast %sign3A : i32 to vector<32x512xi32>
    %sign3A_286 = arith.cmpi sgt, %iota3A_283, %sign3A_285 : vector<32x512xi32>
    %sign3A_287 = arith.extui %sign3A_286 : vector<32x512xi1> to vector<32x512xi32>
    %sign3A_288 = arith.constant 0 : i32
    %sign3A_289 = vector.broadcast %sign3A_288 : i32 to vector<32x512xi32>
    %sign3A_290 = arith.cmpi slt, %iota3A_283, %sign3A_289 : vector<32x512xi32>
    %sign3A_291 = arith.extui %sign3A_290 : vector<32x512xi1> to vector<32x512xi32>
    %sign3A_292 = arith.subi %sign3A_287, %sign3A_291 : vector<32x512xi32>
    %sign3A_293 = arith.constant 0 : i32
    %sign3A_294 = arith.cmpi sgt, %jit3A, %sign3A_293 : i32
    %sign3A_295 = arith.extui %sign3A_294 : i1 to i32
    %sign3A_296 = arith.constant 0 : i32
    %sign3A_297 = arith.cmpi slt, %jit3A, %sign3A_296 : i32
    %sign3A_298 = arith.extui %sign3A_297 : i1 to i32
    %sign3A_299 = arith.subi %sign3A_295, %sign3A_298 : i32
    %ne3A = vector.broadcast %sign3A_299 : i32 to vector<32x512xi32>
    %ne3A_300 = arith.cmpi ne, %sign3A_292, %ne3A : vector<32x512xi32>
    %rem3A = vector.broadcast %jit3A : i32 to vector<32x512xi32>
    %rem3A_301 = arith.remsi %iota3A_283, %rem3A : vector<32x512xi32>
    %ne3A_302 = arith.constant 0 : i32
    %ne3A_303 = vector.broadcast %ne3A_302 : i32 to vector<32x512xi32>
    %ne3A_304 = arith.cmpi ne, %rem3A_301, %ne3A_303 : vector<32x512xi32>
    %and3A = arith.andi %ne3A_300, %ne3A_304 : vector<32x512xi1>
    %sub3A = arith.constant 1 : i32
    %sub3A_305 = vector.broadcast %sub3A : i32 to vector<32x512xi32>
    %sub3A_306 = arith.subi %div3A_284, %sub3A_305 : vector<32x512xi32>
    %select_n3A = arith.select %and3A, %sub3A_306, %div3A_284 : vector<32x512xi1>, vector<32x512xi32>
    %jit3A_307 = arith.constant 256 : i32
    %div3A_308 = vector.broadcast %jit3A_307 : i32 to vector<32x512xi32>
    %div3A_309 = arith.divsi %iota3A, %div3A_308 : vector<32x512xi32>
    %sign3A_310 = arith.constant 0 : i32
    %sign3A_311 = vector.broadcast %sign3A_310 : i32 to vector<32x512xi32>
    %sign3A_312 = arith.cmpi sgt, %iota3A, %sign3A_311 : vector<32x512xi32>
    %sign3A_313 = arith.extui %sign3A_312 : vector<32x512xi1> to vector<32x512xi32>
    %sign3A_314 = arith.constant 0 : i32
    %sign3A_315 = vector.broadcast %sign3A_314 : i32 to vector<32x512xi32>
    %sign3A_316 = arith.cmpi slt, %iota3A, %sign3A_315 : vector<32x512xi32>
    %sign3A_317 = arith.extui %sign3A_316 : vector<32x512xi1> to vector<32x512xi32>
    %sign3A_318 = arith.subi %sign3A_313, %sign3A_317 : vector<32x512xi32>
    %sign3A_319 = arith.constant 0 : i32
    %sign3A_320 = arith.cmpi sgt, %jit3A_307, %sign3A_319 : i32
    %sign3A_321 = arith.extui %sign3A_320 : i1 to i32
    %sign3A_322 = arith.constant 0 : i32
    %sign3A_323 = arith.cmpi slt, %jit3A_307, %sign3A_322 : i32
    %sign3A_324 = arith.extui %sign3A_323 : i1 to i32
    %sign3A_325 = arith.subi %sign3A_321, %sign3A_324 : i32
    %ne3A_326 = vector.broadcast %sign3A_325 : i32 to vector<32x512xi32>
    %ne3A_327 = arith.cmpi ne, %sign3A_318, %ne3A_326 : vector<32x512xi32>
    %rem3A_328 = vector.broadcast %jit3A_307 : i32 to vector<32x512xi32>
    %rem3A_329 = arith.remsi %iota3A, %rem3A_328 : vector<32x512xi32>
    %ne3A_330 = arith.constant 0 : i32
    %ne3A_331 = vector.broadcast %ne3A_330 : i32 to vector<32x512xi32>
    %ne3A_332 = arith.cmpi ne, %rem3A_329, %ne3A_331 : vector<32x512xi32>
    %and3A_333 = arith.andi %ne3A_327, %ne3A_332 : vector<32x512xi1>
    %sub3A_334 = arith.constant 1 : i32
    %sub3A_335 = vector.broadcast %sub3A_334 : i32 to vector<32x512xi32>
    %sub3A_336 = arith.subi %div3A_309, %sub3A_335 : vector<32x512xi32>
    %select_n3A_337 = arith.select %and3A_333, %sub3A_336, %div3A_309 : vector<32x512xi1>, vector<32x512xi32>
    %eq3A = arith.cmpi eq, %select_n3A, %select_n3A_337 : vector<32x512xi32>
    %jit3A_338 = arith.constant 16 : i32
    %eq3A_339 = arith.constant 0 : i32
    %eq3A_340 = arith.cmpi eq, %jit3A_338, %eq3A_339 : i32
    %jit3A_341 = arith.constant 1 : i32
    %select_n3A_342 = arith.select %eq3A_340, %jit3A_341, %jit3A_338 : i32
    %rem3A_343 = vector.broadcast %select_n3A_342 : i32 to vector<32x512xi32>
    %rem3A_344 = arith.remsi %iota3A_283, %rem3A_343 : vector<32x512xi32>
    %ne3A_345 = arith.constant 0 : i32
    %ne3A_346 = vector.broadcast %ne3A_345 : i32 to vector<32x512xi32>
    %ne3A_347 = arith.cmpi ne, %rem3A_344, %ne3A_346 : vector<32x512xi32>
    %lt3A = arith.constant 0 : i32
    %lt3A_348 = vector.broadcast %lt3A : i32 to vector<32x512xi32>
    %lt3A_349 = arith.cmpi slt, %rem3A_344, %lt3A_348 : vector<32x512xi32>
    %lt3A_350 = arith.constant 0 : i32
    %lt3A_351 = arith.cmpi slt, %select_n3A_342, %lt3A_350 : i32
    %ne3A_352 = vector.broadcast %lt3A_351 : i1 to vector<32x512xi1>
    %ne3A_353 = vector.broadcast %ne3A_352 : vector<32x512xi1> to vector<32x512xi1>
    %ne3A_354 = arith.xori %lt3A_349, %ne3A_353 : vector<32x512xi1>
    %and3A_355 = arith.andi %ne3A_354, %ne3A_347 : vector<32x512xi1>
    %add3A_356 = vector.broadcast %select_n3A_342 : i32 to vector<32x512xi32>
    %add3A_357 = arith.addi %rem3A_344, %add3A_356 : vector<32x512xi32>
    %select_n3A_358 = arith.select %and3A_355, %add3A_357, %rem3A_344 : vector<32x512xi1>, vector<32x512xi32>
    %jit3A_359 = arith.constant 256 : i32
    %eq3A_360 = arith.constant 0 : i32
    %eq3A_361 = arith.cmpi eq, %jit3A_359, %eq3A_360 : i32
    %jit3A_362 = arith.constant 1 : i32
    %select_n3A_363 = arith.select %eq3A_361, %jit3A_362, %jit3A_359 : i32
    %rem3A_364 = vector.broadcast %select_n3A_363 : i32 to vector<32x512xi32>
    %rem3A_365 = arith.remsi %iota3A, %rem3A_364 : vector<32x512xi32>
    %ne3A_366 = arith.constant 0 : i32
    %ne3A_367 = vector.broadcast %ne3A_366 : i32 to vector<32x512xi32>
    %ne3A_368 = arith.cmpi ne, %rem3A_365, %ne3A_367 : vector<32x512xi32>
    %lt3A_369 = arith.constant 0 : i32
    %lt3A_370 = vector.broadcast %lt3A_369 : i32 to vector<32x512xi32>
    %lt3A_371 = arith.cmpi slt, %rem3A_365, %lt3A_370 : vector<32x512xi32>
    %lt3A_372 = arith.constant 0 : i32
    %lt3A_373 = arith.cmpi slt, %select_n3A_363, %lt3A_372 : i32
    %ne3A_374 = vector.broadcast %lt3A_373 : i1 to vector<32x512xi1>
    %ne3A_375 = vector.broadcast %ne3A_374 : vector<32x512xi1> to vector<32x512xi1>
    %ne3A_376 = arith.xori %lt3A_371, %ne3A_375 : vector<32x512xi1>
    %and3A_377 = arith.andi %ne3A_376, %ne3A_368 : vector<32x512xi1>
    %add3A_378 = vector.broadcast %select_n3A_363 : i32 to vector<32x512xi32>
    %add3A_379 = arith.addi %rem3A_365, %add3A_378 : vector<32x512xi32>
    %select_n3A_380 = arith.select %and3A_377, %add3A_379, %rem3A_365 : vector<32x512xi1>, vector<32x512xi32>
    %jit3A_381 = arith.constant 16 : i32
    %div3A_382 = vector.broadcast %jit3A_381 : i32 to vector<32x512xi32>
    %div3A_383 = arith.divsi %select_n3A_380, %div3A_382 : vector<32x512xi32>
    %sign3A_384 = arith.constant 0 : i32
    %sign3A_385 = vector.broadcast %sign3A_384 : i32 to vector<32x512xi32>
    %sign3A_386 = arith.cmpi sgt, %select_n3A_380, %sign3A_385 : vector<32x512xi32>
    %sign3A_387 = arith.extui %sign3A_386 : vector<32x512xi1> to vector<32x512xi32>
    %sign3A_388 = arith.constant 0 : i32
    %sign3A_389 = vector.broadcast %sign3A_388 : i32 to vector<32x512xi32>
    %sign3A_390 = arith.cmpi slt, %select_n3A_380, %sign3A_389 : vector<32x512xi32>
    %sign3A_391 = arith.extui %sign3A_390 : vector<32x512xi1> to vector<32x512xi32>
    %sign3A_392 = arith.subi %sign3A_387, %sign3A_391 : vector<32x512xi32>
    %sign3A_393 = arith.constant 0 : i32
    %sign3A_394 = arith.cmpi sgt, %jit3A_381, %sign3A_393 : i32
    %sign3A_395 = arith.extui %sign3A_394 : i1 to i32
    %sign3A_396 = arith.constant 0 : i32
    %sign3A_397 = arith.cmpi slt, %jit3A_381, %sign3A_396 : i32
    %sign3A_398 = arith.extui %sign3A_397 : i1 to i32
    %sign3A_399 = arith.subi %sign3A_395, %sign3A_398 : i32
    %ne3A_400 = vector.broadcast %sign3A_399 : i32 to vector<32x512xi32>
    %ne3A_401 = arith.cmpi ne, %sign3A_392, %ne3A_400 : vector<32x512xi32>
    %rem3A_402 = vector.broadcast %jit3A_381 : i32 to vector<32x512xi32>
    %rem3A_403 = arith.remsi %select_n3A_380, %rem3A_402 : vector<32x512xi32>
    %ne3A_404 = arith.constant 0 : i32
    %ne3A_405 = vector.broadcast %ne3A_404 : i32 to vector<32x512xi32>
    %ne3A_406 = arith.cmpi ne, %rem3A_403, %ne3A_405 : vector<32x512xi32>
    %and3A_407 = arith.andi %ne3A_401, %ne3A_406 : vector<32x512xi1>
    %sub3A_408 = arith.constant 1 : i32
    %sub3A_409 = vector.broadcast %sub3A_408 : i32 to vector<32x512xi32>
    %sub3A_410 = arith.subi %div3A_383, %sub3A_409 : vector<32x512xi32>
    %select_n3A_411 = arith.select %and3A_407, %sub3A_410, %div3A_383 : vector<32x512xi1>, vector<32x512xi32>
    %jit3A_412 = arith.constant 16 : i32
    %eq3A_413 = arith.constant 0 : i32
    %eq3A_414 = arith.cmpi eq, %jit3A_412, %eq3A_413 : i32
    %jit3A_415 = arith.constant 1 : i32
    %select_n3A_416 = arith.select %eq3A_414, %jit3A_415, %jit3A_412 : i32
    %rem3A_417 = vector.broadcast %select_n3A_416 : i32 to vector<32x512xi32>
    %rem3A_418 = arith.remsi %iota3A, %rem3A_417 : vector<32x512xi32>
    %ne3A_419 = arith.constant 0 : i32
    %ne3A_420 = vector.broadcast %ne3A_419 : i32 to vector<32x512xi32>
    %ne3A_421 = arith.cmpi ne, %rem3A_418, %ne3A_420 : vector<32x512xi32>
    %lt3A_422 = arith.constant 0 : i32
    %lt3A_423 = vector.broadcast %lt3A_422 : i32 to vector<32x512xi32>
    %lt3A_424 = arith.cmpi slt, %rem3A_418, %lt3A_423 : vector<32x512xi32>
    %lt3A_425 = arith.constant 0 : i32
    %lt3A_426 = arith.cmpi slt, %select_n3A_416, %lt3A_425 : i32
    %ne3A_427 = vector.broadcast %lt3A_426 : i1 to vector<32x512xi1>
    %ne3A_428 = vector.broadcast %ne3A_427 : vector<32x512xi1> to vector<32x512xi1>
    %ne3A_429 = arith.xori %lt3A_424, %ne3A_428 : vector<32x512xi1>
    %and3A_430 = arith.andi %ne3A_429, %ne3A_421 : vector<32x512xi1>
    %add3A_431 = vector.broadcast %select_n3A_416 : i32 to vector<32x512xi32>
    %add3A_432 = arith.addi %rem3A_418, %add3A_431 : vector<32x512xi32>
    %select_n3A_433 = arith.select %and3A_430, %add3A_432, %rem3A_418 : vector<32x512xi1>, vector<32x512xi32>
    %eq3A_434 = arith.cmpi eq, %select_n3A_358, %select_n3A_411 : vector<32x512xi32>
    %and3A_435 = arith.andi %eq3A, %eq3A_434 : vector<32x512xi1>
    %jit3A_436 = arith.constant 1.000000e+00 : f32
    %jit3A_437 = arith.constant 0.000000e+00 : f32
    %broadcast_in_dim3A_438 = vector.broadcast %jit3A_436 : f32 to vector<32x512xf32>
    %broadcast_in_dim3A_439 = vector.broadcast %jit3A_437 : f32 to vector<32x512xf32>
    %select_n3A_440 = arith.select %and3A_435, %broadcast_in_dim3A_438, %broadcast_in_dim3A_439 : vector<32x512xi1>, vector<32x512xf32>
    %eq3A_441 = arith.cmpi eq, %select_n3A_358, %select_n3A_433 : vector<32x512xi32>
    %and3A_442 = arith.andi %eq3A, %eq3A_441 : vector<32x512xi1>
    %jit3A_443 = arith.constant 1.000000e+00 : f32
    %jit3A_444 = arith.constant 0.000000e+00 : f32
    %broadcast_in_dim3A_445 = vector.broadcast %jit3A_443 : f32 to vector<32x512xf32>
    %broadcast_in_dim3A_446 = vector.broadcast %jit3A_444 : f32 to vector<32x512xf32>
    %select_n3A_447 = arith.select %and3A_442, %broadcast_in_dim3A_445, %broadcast_in_dim3A_446 : vector<32x512xi1>, vector<32x512xf32>
    %transpose3A_448 = tpu.transpose %select_n3A_447, [1, 0] : vector<32x512xf32> -> vector<512x32xf32>
    %dot_general3A_449 = arith.constant dense<0.000000e+00> : vector<8x512xf32>
    %dot_general3A_450 = tpu.matmul %transpose3A_95, %select_n3A_440, %dot_general3A_449 {dimension_numbers = #tpu.dot_dimension_numbers<[1], [0], [0], [1], [0, 0, 1, 1], [], []>, precision = #tpu.contract_precision<fp32>, transpose_lhs_hint = false} : vector<8x32xf32>, vector<32x512xf32>, vector<8x512xf32> -> vector<8x512xf32>
    %dot_general3A_451 = arith.constant dense<0.000000e+00> : vector<8x512xf32>
    %dot_general3A_452 = tpu.matmul %transpose3A_95, %select_n3A_447, %dot_general3A_451 {dimension_numbers = #tpu.dot_dimension_numbers<[1], [0], [0], [1], [0, 0, 1, 1], [], []>, precision = #tpu.contract_precision<fp32>, transpose_lhs_hint = false} : vector<8x32xf32>, vector<32x512xf32>, vector<8x512xf32> -> vector<8x512xf32>
    %dot_general3A_453 = arith.constant dense<0.000000e+00> : vector<8x512xf32>
    %dot_general3A_454 = tpu.matmul %transpose3A_120, %select_n3A_440, %dot_general3A_453 {dimension_numbers = #tpu.dot_dimension_numbers<[1], [0], [0], [1], [0, 0, 1, 1], [], []>, precision = #tpu.contract_precision<fp32>, transpose_lhs_hint = false} : vector<8x32xf32>, vector<32x512xf32>, vector<8x512xf32> -> vector<8x512xf32>
    %dot_general3A_455 = arith.constant dense<0.000000e+00> : vector<8x512xf32>
    %dot_general3A_456 = tpu.matmul %transpose3A_120, %select_n3A_447, %dot_general3A_455 {dimension_numbers = #tpu.dot_dimension_numbers<[1], [0], [0], [1], [0, 0, 1, 1], [], []>, precision = #tpu.contract_precision<fp32>, transpose_lhs_hint = false} : vector<8x32xf32>, vector<32x512xf32>, vector<8x512xf32> -> vector<8x512xf32>
    %broadcast_in_dim3A_457 = arith.constant 0.000000e+00 : f32
    %broadcast_in_dim3A_458 = vector.broadcast %broadcast_in_dim3A_457 : f32 to vector<8x32xf32>
    %broadcast_in_dim3A_459 = arith.constant 0.000000e+00 : f32
    %broadcast_in_dim3A_460 = vector.broadcast %broadcast_in_dim3A_459 : f32 to vector<8x512xf32>
    %scan3A = arith.constant 0 : i32
    %scan3A_461 = arith.constant 16 : i32
    %scan3A_462 = arith.addi %scan3A, %scan3A_461 : i32
    %scan3A_463 = arith.constant 1 : i32
    %scan3A_464:6 = scf.for %scan3A_484 = %scan3A to %scan3A_462 step %scan3A_463 iter_args(%scan3A_485 = %broadcast_in_dim3A_458, %scan3A_486 = %broadcast_in_dim3A_458, %scan3A_487 = %broadcast_in_dim3A_460, %scan3A_488 = %broadcast_in_dim3A_460, %scan3A_489 = %broadcast_in_dim3A_460, %scan3A_490 = %broadcast_in_dim3A_460) -> (vector<8x32xf32>, vector<8x32xf32>, vector<8x512xf32>, vector<8x512xf32>, vector<8x512xf32>, vector<8x512xf32>)  : i32 {
      %dot_general3A_491 = arith.constant dense<0.000000e+00> : vector<8x512xf32>
      %dot_general3A_492 = tpu.matmul %scan3A_485, %select_n3A_440, %dot_general3A_491 {dimension_numbers = #tpu.dot_dimension_numbers<[1], [0], [0], [1], [0, 0, 1, 1], [], []>, precision = #tpu.contract_precision<fp32>, transpose_lhs_hint = false} : vector<8x32xf32>, vector<32x512xf32>, vector<8x512xf32> -> vector<8x512xf32>
      %dot_general3A_493 = arith.constant dense<0.000000e+00> : vector<8x512xf32>
      %dot_general3A_494 = tpu.matmul %scan3A_485, %select_n3A_447, %dot_general3A_493 {dimension_numbers = #tpu.dot_dimension_numbers<[1], [0], [0], [1], [0, 0, 1, 1], [], []>, precision = #tpu.contract_precision<fp32>, transpose_lhs_hint = false} : vector<8x32xf32>, vector<32x512xf32>, vector<8x512xf32> -> vector<8x512xf32>
      %dot_general3A_495 = arith.constant dense<0.000000e+00> : vector<8x512xf32>
      %dot_general3A_496 = tpu.matmul %scan3A_486, %select_n3A_440, %dot_general3A_495 {dimension_numbers = #tpu.dot_dimension_numbers<[1], [0], [0], [1], [0, 0, 1, 1], [], []>, precision = #tpu.contract_precision<fp32>, transpose_lhs_hint = false} : vector<8x32xf32>, vector<32x512xf32>, vector<8x512xf32> -> vector<8x512xf32>
      %dot_general3A_497 = arith.constant dense<0.000000e+00> : vector<8x512xf32>
      %dot_general3A_498 = tpu.matmul %scan3A_486, %select_n3A_447, %dot_general3A_497 {dimension_numbers = #tpu.dot_dimension_numbers<[1], [0], [0], [1], [0, 0, 1, 1], [], []>, precision = #tpu.contract_precision<fp32>, transpose_lhs_hint = false} : vector<8x32xf32>, vector<32x512xf32>, vector<8x512xf32> -> vector<8x512xf32>
      %sub3A_499 = arith.subf %dot_general3A_492, %scan3A_488 : vector<8x512xf32>
      %add3A_500 = arith.addf %sub3A_499, %dot_general3A_450 : vector<8x512xf32>
      %broadcast_in_dim3A_501 = vector.shape_cast %add3A_500 : vector<8x512xf32> to vector<1x8x512xf32>
      %add3A_502 = vector.broadcast %broadcast_in_dim3A_501 : vector<1x8x512xf32> to vector<8x8x512xf32>
      %add3A_503 = arith.addf %add3A_201, %add3A_502 : vector<8x8x512xf32>
      %reduce_max3A = arith.constant dense<0xFF800000> : vector<8x512xf32>
      %reduce_max3A_504 = vector.multi_reduction <maximumf>, %add3A_503, %reduce_max3A [1] : vector<8x8x512xf32> to vector<8x512xf32>
      %broadcast_in_dim3A_505 = vector.shape_cast %reduce_max3A_504 : vector<8x512xf32> to vector<8x1x512xf32>
      %sub3A_506 = vector.broadcast %broadcast_in_dim3A_505 : vector<8x1x512xf32> to vector<8x8x512xf32>
      %sub3A_507 = arith.subf %add3A_503, %sub3A_506 : vector<8x8x512xf32>
      %exp3A = math.exp %sub3A_507 : vector<8x8x512xf32>
      %reduce_sum3A = arith.constant dense<0.000000e+00> : vector<8x512xf32>
      %reduce_sum3A_508 = vector.multi_reduction <add>, %exp3A, %reduce_sum3A [1] : vector<8x8x512xf32> to vector<8x512xf32>
      %squeeze3A_509 = vector.shape_cast %broadcast_in_dim3A_505 : vector<8x1x512xf32> to vector<8x512xf32>
      %log3A = math.log %reduce_sum3A_508 : vector<8x512xf32>
      %add3A_510 = arith.addf %squeeze3A_509, %log3A : vector<8x512xf32>
      %reduce_max3A_511 = arith.constant dense<0xFF800000> : vector<512xf32>
      %reduce_max3A_512 = vector.multi_reduction <maximumf>, %add3A_510, %reduce_max3A_511 [0] : vector<8x512xf32> to vector<512xf32>
      %broadcast_in_dim3A_513 = vector.shape_cast %reduce_max3A_512 : vector<512xf32> to vector<1x512xf32>
      %sub3A_514 = vector.broadcast %broadcast_in_dim3A_513 : vector<1x512xf32> to vector<8x512xf32>
      %sub3A_515 = arith.subf %add3A_510, %sub3A_514 : vector<8x512xf32>
      %exp3A_516 = math.exp %sub3A_515 : vector<8x512xf32>
      %reduce_sum3A_517 = arith.constant dense<0.000000e+00> : vector<512xf32>
      %reduce_sum3A_518 = vector.multi_reduction <add>, %exp3A_516, %reduce_sum3A_517 [0] : vector<8x512xf32> to vector<512xf32>
      %broadcast_in_dim3A_519 = vector.shape_cast %reduce_sum3A_518 : vector<512xf32> to vector<1x512xf32>
      %log3A_520 = math.log %broadcast_in_dim3A_519 : vector<1x512xf32>
      %sub3A_521 = vector.broadcast %log3A_520 : vector<1x512xf32> to vector<8x512xf32>
      %sub3A_522 = arith.subf %sub3A_515, %sub3A_521 : vector<8x512xf32>
      %mul3A_523 = vector.broadcast %reshape3A_70 : vector<1x512xf32> to vector<8x512xf32>
      %mul3A_524 = arith.mulf %sub3A_522, %mul3A_523 : vector<8x512xf32>
      %sub3A_525 = arith.subf %dot_general3A_496, %scan3A_490 : vector<8x512xf32>
      %add3A_526 = arith.addf %sub3A_525, %dot_general3A_454 : vector<8x512xf32>
      %broadcast_in_dim3A_527 = vector.shape_cast %add3A_526 : vector<8x512xf32> to vector<1x8x512xf32>
      %add3A_528 = vector.broadcast %broadcast_in_dim3A_527 : vector<1x8x512xf32> to vector<8x8x512xf32>
      %add3A_529 = arith.addf %add3A_280, %add3A_528 : vector<8x8x512xf32>
      %mul3A_530 = arith.mulf %add3A_529, %exp3A : vector<8x8x512xf32>
      %reduce_sum3A_531 = arith.constant dense<0.000000e+00> : vector<8x512xf32>
      %reduce_sum3A_532 = vector.multi_reduction <add>, %mul3A_530, %reduce_sum3A_531 [1] : vector<8x8x512xf32> to vector<8x512xf32>
      %div3A_533 = arith.divf %reduce_sum3A_532, %reduce_sum3A_508 : vector<8x512xf32>
      %mul3A_534 = vector.broadcast %reshape3A_70 : vector<1x512xf32> to vector<8x512xf32>
      %mul3A_535 = arith.mulf %div3A_533, %mul3A_534 : vector<8x512xf32>
      %sub3A_536 = arith.subf %dot_general3A_494, %scan3A_487 : vector<8x512xf32>
      %add3A_537 = arith.addf %sub3A_536, %dot_general3A_452 : vector<8x512xf32>
      %broadcast_in_dim3A_538 = vector.shape_cast %add3A_537 : vector<8x512xf32> to vector<1x8x512xf32>
      %add3A_539 = vector.broadcast %broadcast_in_dim3A_538 : vector<1x8x512xf32> to vector<8x8x512xf32>
      %add3A_540 = arith.addf %transpose3A_281, %add3A_539 : vector<8x8x512xf32>
      %reduce_max3A_541 = arith.constant dense<0xFF800000> : vector<8x512xf32>
      %reduce_max3A_542 = vector.multi_reduction <maximumf>, %add3A_540, %reduce_max3A_541 [1] : vector<8x8x512xf32> to vector<8x512xf32>
      %broadcast_in_dim3A_543 = vector.shape_cast %reduce_max3A_542 : vector<8x512xf32> to vector<8x1x512xf32>
      %sub3A_544 = vector.broadcast %broadcast_in_dim3A_543 : vector<8x1x512xf32> to vector<8x8x512xf32>
      %sub3A_545 = arith.subf %add3A_540, %sub3A_544 : vector<8x8x512xf32>
      %exp3A_546 = math.exp %sub3A_545 : vector<8x8x512xf32>
      %reduce_sum3A_547 = arith.constant dense<0.000000e+00> : vector<8x512xf32>
      %reduce_sum3A_548 = vector.multi_reduction <add>, %exp3A_546, %reduce_sum3A_547 [1] : vector<8x8x512xf32> to vector<8x512xf32>
      %squeeze3A_549 = vector.shape_cast %broadcast_in_dim3A_543 : vector<8x1x512xf32> to vector<8x512xf32>
      %log3A_550 = math.log %reduce_sum3A_548 : vector<8x512xf32>
      %add3A_551 = arith.addf %squeeze3A_549, %log3A_550 : vector<8x512xf32>
      %reduce_max3A_552 = arith.constant dense<0xFF800000> : vector<512xf32>
      %reduce_max3A_553 = vector.multi_reduction <maximumf>, %add3A_551, %reduce_max3A_552 [0] : vector<8x512xf32> to vector<512xf32>
      %broadcast_in_dim3A_554 = vector.shape_cast %reduce_max3A_553 : vector<512xf32> to vector<1x512xf32>
      %sub3A_555 = vector.broadcast %broadcast_in_dim3A_554 : vector<1x512xf32> to vector<8x512xf32>
      %sub3A_556 = arith.subf %add3A_551, %sub3A_555 : vector<8x512xf32>
      %exp3A_557 = math.exp %sub3A_556 : vector<8x512xf32>
      %reduce_sum3A_558 = arith.constant dense<0.000000e+00> : vector<512xf32>
      %reduce_sum3A_559 = vector.multi_reduction <add>, %exp3A_557, %reduce_sum3A_558 [0] : vector<8x512xf32> to vector<512xf32>
      %broadcast_in_dim3A_560 = vector.shape_cast %reduce_sum3A_559 : vector<512xf32> to vector<1x512xf32>
      %log3A_561 = math.log %broadcast_in_dim3A_560 : vector<1x512xf32>
      %sub3A_562 = vector.broadcast %log3A_561 : vector<1x512xf32> to vector<8x512xf32>
      %sub3A_563 = arith.subf %sub3A_556, %sub3A_562 : vector<8x512xf32>
      %mul3A_564 = vector.broadcast %reshape3A_70 : vector<1x512xf32> to vector<8x512xf32>
      %mul3A_565 = arith.mulf %sub3A_563, %mul3A_564 : vector<8x512xf32>
      %sub3A_566 = arith.subf %dot_general3A_498, %scan3A_489 : vector<8x512xf32>
      %add3A_567 = arith.addf %sub3A_566, %dot_general3A_456 : vector<8x512xf32>
      %broadcast_in_dim3A_568 = vector.shape_cast %add3A_567 : vector<8x512xf32> to vector<1x8x512xf32>
      %add3A_569 = vector.broadcast %broadcast_in_dim3A_568 : vector<1x8x512xf32> to vector<8x8x512xf32>
      %add3A_570 = arith.addf %transpose3A_282, %add3A_569 : vector<8x8x512xf32>
      %mul3A_571 = arith.mulf %add3A_570, %exp3A_546 : vector<8x8x512xf32>
      %reduce_sum3A_572 = arith.constant dense<0.000000e+00> : vector<8x512xf32>
      %reduce_sum3A_573 = vector.multi_reduction <add>, %mul3A_571, %reduce_sum3A_572 [1] : vector<8x8x512xf32> to vector<8x512xf32>
      %div3A_574 = arith.divf %reduce_sum3A_573, %reduce_sum3A_548 : vector<8x512xf32>
      %mul3A_575 = vector.broadcast %reshape3A_70 : vector<1x512xf32> to vector<8x512xf32>
      %mul3A_576 = arith.mulf %div3A_574, %mul3A_575 : vector<8x512xf32>
      %dot_general3A_577 = arith.constant dense<0.000000e+00> : vector<8x32xf32>
      %dot_general3A_578 = tpu.matmul %mul3A_524, %transpose3A_448, %dot_general3A_577 {dimension_numbers = #tpu.dot_dimension_numbers<[1], [0], [0], [1], [0, 0, 1, 1], [], []>, precision = #tpu.contract_precision<fp32>, transpose_lhs_hint = false} : vector<8x512xf32>, vector<512x32xf32>, vector<8x32xf32> -> vector<8x32xf32>
      %dot_general3A_579 = arith.constant dense<0.000000e+00> : vector<8x32xf32>
      %dot_general3A_580 = tpu.matmul %mul3A_535, %transpose3A_448, %dot_general3A_579 {dimension_numbers = #tpu.dot_dimension_numbers<[1], [0], [0], [1], [0, 0, 1, 1], [], []>, precision = #tpu.contract_precision<fp32>, transpose_lhs_hint = false} : vector<8x512xf32>, vector<512x32xf32>, vector<8x32xf32> -> vector<8x32xf32>
      scf.yield %dot_general3A_578, %dot_general3A_580, %mul3A_524, %mul3A_565, %mul3A_535, %mul3A_576 : vector<8x32xf32>, vector<8x32xf32>, vector<8x512xf32>, vector<8x512xf32>, vector<8x512xf32>, vector<8x512xf32>
    }
    %iota3A_465 = tpu.iota {dimensions = array<i32: 0>} : vector<32x2xi32>
    %iota3A_466 = tpu.iota {dimensions = array<i32: 1>} : vector<32x2xi32>
    %mul3A_467 = arith.constant 16 : i32
    %mul3A_468 = vector.broadcast %mul3A_467 : i32 to vector<32x2xi32>
    %mul3A_469 = arith.muli %iota3A_466, %mul3A_468 : vector<32x2xi32>
    %eq3A_470 = arith.cmpi eq, %iota3A_465, %mul3A_469 : vector<32x2xi32>
    %jit3A_471 = arith.constant 1.000000e+00 : f32
    %jit3A_472 = arith.constant 0.000000e+00 : f32
    %broadcast_in_dim3A_473 = vector.broadcast %jit3A_471 : f32 to vector<32x2xf32>
    %broadcast_in_dim3A_474 = vector.broadcast %jit3A_472 : f32 to vector<32x2xf32>
    %select_n3A_475 = arith.select %eq3A_470, %broadcast_in_dim3A_473, %broadcast_in_dim3A_474 : vector<32x2xi1>, vector<32x2xf32>
    %add3A_476 = arith.addf %scan3A_464#1, %transpose3A_120 : vector<8x32xf32>
    %dot_general3A_477 = arith.constant dense<0.000000e+00> : vector<8x2xf32>
    %dot_general3A_478 = tpu.matmul %add3A_476, %select_n3A_475, %dot_general3A_477 {dimension_numbers = #tpu.dot_dimension_numbers<[1], [0], [0], [1], [0, 0, 1, 1], [], []>, precision = #tpu.contract_precision<fp32>, transpose_lhs_hint = false} : vector<8x32xf32>, vector<32x2xf32>, vector<8x2xf32> -> vector<8x2xf32>
    %transpose3A_479 = tpu.transpose %dot_general3A_478, [1, 0] : vector<8x2xf32> -> vector<2x8xf32>
    %reshape3A_480 = vector.shape_cast %transpose3A_479 : vector<2x8xf32> to vector<2x1x8xf32>
    %swap3A = arith.constant 0 : index
    %swap3A_481 = arith.constant 0 : index
    %swap3A_482 = arith.constant 0 : index
    %swap3A_483 = vector.load %arg14[%swap3A, %swap3A_481, %swap3A_482] : memref<2x1x8xf32, #tpu.memory_space<vmem>>, vector<2x1x8xf32>
    tpu.vector_store %arg14[%swap3A, %swap3A_481, %swap3A_482], %reshape3A_480 {strides = array<i32>} : memref<2x1x8xf32, #tpu.memory_space<vmem>>, vector<2x1x8xf32>,
    return
  }
  func.func @transform_0(%arg0: i32) -> (i32, i32, i32) {
    %c0_i32 = arith.constant 0 : i32
    %c0_i32_0 = arith.constant 0 : i32
    %c0_i32_1 = arith.constant 0 : i32
    return %arg0, %c0_i32, %c0_i32_0 : i32, i32, i32
  }
  func.func @transform_1(%arg0: i32) -> (i32, i32, i32) {
    %c0_i32 = arith.constant 0 : i32
    %c0_i32_0 = arith.constant 0 : i32
    %c0_i32_1 = arith.constant 0 : i32
    return %arg0, %c0_i32, %c0_i32_0 : i32, i32, i32
  }
  func.func @transform_2(%arg0: i32) -> (i32, i32, i32) {
    %c0_i32 = arith.constant 0 : i32
    %c0_i32_0 = arith.constant 0 : i32
    %c0_i32_1 = arith.constant 0 : i32
    return %arg0, %c0_i32, %c0_i32_0 : i32, i32, i32
  }
  func.func @transform_3(%arg0: i32) -> (i32, i32, i32) {
    %c0_i32 = arith.constant 0 : i32
    %c0_i32_0 = arith.constant 0 : i32
    %c0_i32_1 = arith.constant 0 : i32
    return %arg0, %c0_i32, %c0_i32_0 : i32, i32, i32
  }
  func.func @transform_4(%arg0: i32) -> (i32, i32, i32) {
    %c0_i32 = arith.constant 0 : i32
    %c0_i32_0 = arith.constant 0 : i32
    %c0_i32_1 = arith.constant 0 : i32
    return %arg0, %c0_i32, %c0_i32_0 : i32, i32, i32
  }
  func.func @transform_5(%arg0: i32) -> (i32, i32) {
    %c0_i32 = arith.constant 0 : i32
    %c0_i32_0 = arith.constant 0 : i32
    %c0_i32_1 = arith.constant 0 : i32
    return %c0_i32, %c0_i32_0 : i32, i32
  }
  func.func @transform_6(%arg0: i32) -> (i32, i32) {
    %c0_i32 = arith.constant 0 : i32
    %c0_i32_0 = arith.constant 0 : i32
    %c0_i32_1 = arith.constant 0 : i32
    return %c0_i32, %c0_i32_0 : i32, i32
  }
  func.func @transform_7(%arg0: i32) -> (i32, i32) {
    %c0_i32 = arith.constant 0 : i32
    %c0_i32_0 = arith.constant 0 : i32
    %c0_i32_1 = arith.constant 0 : i32
    return %c0_i32, %c0_i32_0 : i32, i32
  }
  func.func @transform_8(%arg0: i32) -> (i32, i32) {
    %c0_i32 = arith.constant 0 : i32
    %c0_i32_0 = arith.constant 0 : i32
    %c0_i32_1 = arith.constant 0 : i32
    return %c0_i32, %c0_i32_0 : i32, i32
  }
  func.func @transform_9(%arg0: i32) -> (i32, i32) {
    %c0_i32 = arith.constant 0 : i32
    %c0_i32_0 = arith.constant 0 : i32
    %c0_i32_1 = arith.constant 0 : i32
    return %c0_i32, %c0_i32_0 : i32, i32
  }
  func.func @transform_10(%arg0: i32) -> (i32, i32) {
    %c0_i32 = arith.constant 0 : i32
    %c0_i32_0 = arith.constant 0 : i32
    %c0_i32_1 = arith.constant 0 : i32
    return %c0_i32, %c0_i32_0 : i32, i32
  }
  func.func @transform_11(%arg0: i32) -> (i32, i32) {
    %c0_i32 = arith.constant 0 : i32
    %c0_i32_0 = arith.constant 0 : i32
    %c0_i32_1 = arith.constant 0 : i32
    return %c0_i32, %c0_i32_0 : i32, i32
  }
  func.func @transform_12(%arg0: i32) -> (i32, i32) {
    %c0_i32 = arith.constant 0 : i32
    %c0_i32_0 = arith.constant 0 : i32
    %c0_i32_1 = arith.constant 0 : i32
    return %c0_i32, %c0_i32_0 : i32, i32
  }
  func.func @transform_13(%arg0: i32) -> (i32, i32, i32) {
    %c0_i32 = arith.constant 0 : i32
    %c0_i32_0 = arith.constant 0 : i32
    %c0_i32_1 = arith.constant 0 : i32
    return %arg0, %c0_i32, %c0_i32_0 : i32, i32, i32
  }
}

</mosaic_0001>

<sc_bundles>
// kernel: gather_offload_async_start
scs
__scs_entry_jumppad:
0x0: {  	(pc) =	sbr.rel $0x88, $3  }
0x1: {  	(tag) =	ssettag $0x0;
	lr =	simm.s32 $0x1  }
0x2: {  	[smem:$0x3F90] =	sst lr;
	_ =	strace $0xD0000000  }
0x3: {  	_ = 	snop  }
0x4: {  	_ = 	snop  }
0x5: {  	_ = 	snop  }
0x6: {  	_ = 	snop  }
0x7: {  	_ = 	snop  }
__scs_overlays_trampoline_lowered:
0x8: {  	[smem:$0x3F9F] =	sst s0  }
0x9: {  	[smem:$0x3FA0] =	sst s1  }
0xa: {  	[smem:$0x3FA1] =	sst s2  }
0xb: {  	[smem:$0x3FA2] =	sst s3  }
0xc: {  	[smem:$0x3FA3] =	sst s4  }
0xd: {  	[smem:$0x3FA4] =	sst s5  }
0xe: {  	[smem:$0x3FA5] =	sst s6  }
0xf: {  	[smem:$0x3FA6] =	sst s7  }
0x10: {  	[smem:$0x3FA7] =	sst s8  }
0x11: {  	[smem:$0x3FA8] =	sst s9;
	s0 =	simm.s32 @!p0 $0x0  }
0x12: {  	s1 =	sld [smem:$0x3F8E];
	s0 =	simm.s32 @p0 $0x1  }
0x13: {  	[smem:$0x3FA9] =	sst s0;
	s0 =	simm.s32 @!p1 $0x0  }
0x14: {  	s2 =	sld [smem:$0x3F8D];
	s0 =	simm.s32 @p1 $0x1  }
0x15: {  	[smem:$0x3FAA] =	sst s0;
	s0 =	simm.s32 @!p2 $0x0  }
0x16: {  	s3 =	sld [smem:$0x3FDB];
	s0 =	simm.s32 @p2 $0x1  }
0x17: {  	s4 =	simm.s32 $0x1BF5;
	[smem:$0x3FAC] =	sst s0  }
0x18: {  	s0 =	sld [smem:$0x3F8F];
	_ =	swait.ge [sflag:s4], $0x0  }
0x19: {  	s7 =	sld [smem:$0x3F90]  }
0x1a: {  	s8 =	sadd.s32 $0xFFFFE003, lr  }
0x1b: {  	s9 =	sadd.s32 $0xFFFFFEF7, lr;
	s5 =	simm.s32 $0xFFFFFFFF;
	p2 =	slt.u32 s8, $0xFFFFF086  }
0x1c: {  	p1 =	slt.u32 s9, $0xF7A;
	s5 =	simm.s32 @!p2 $0x0  }
0x1d: {  	s5 =	simm.s32 @p1 $0x1;
	p0 =	seq.s32 s7, s2  }
0x1e: {  	s7 =	smul.u32 @!p0 $0xF7A, s2;
	p2 =	seq.s32 @!p0 s5, $0x0  }
0x1f: {  	s9 =	smul.u32 $0xF7A, s1;
	s8 =	simm.s32 @!p0 $0x1BF5;
	p2 =	por !p2, p0  }
0x20: {  	[sflag:s8] =	ssyncset.s32 @!p0 $0xFFFFF086;
	s6 =	sadd.s32 @!p0 s3, s7;
	s7 =	simm.s32 @!p0 $0x108  }
0x21: {  	s3 =	sadd.s32 s3, s9;
	s6 =	sadd.s32 @!p0 $0x88, s6;
	s7 =	simm.s32 @p2 $0x1082  }
0x22: {  	[simem:s7], [sflag:s8] =	dma.local @!p0 [hbm:s6], $0xF7A  }
0x23: {  	s9 =	sor.u32 $0xD0000000, s2;
	s6 =	simm.s32 $0x108;
	_ =	swait.ge @!p0 [sflag:s8], $0x0  }
0x24: {  	s3 =	sadd.s32 $0x88, s3;
	s6 =	simm.s32 @!p1 $0x1082;
	[sflag:s4] =	ssyncset.s32 $0xFFFFF086  }
0x25: {  	[simem:s6], [sflag:s4] =	dma.local [hbm:s3], $0xF7A  }
0x26: {  	[smem:$0x3F90] =	sst s1;
	(tag) =	ssettag s2;
	_ =	strace s9  }
0x27: {  	s1 =	sld [smem:$0x3FA0]  }
0x28: {  	s2 =	sld [smem:$0x3FA1]  }
0x29: {  	s4 =	sld [smem:$0x3FA3]  }
0x2a: {  	p0 =	seq.s32 s5, $0x0;
	s5 =	sld [smem:$0x3FA4]  }
0x2b: {  	s6 =	sld [smem:$0x3FA5]  }
0x2c: {  	s7 =	sld [smem:$0x3FA6]  }
0x2d: {  	s3 =	simm.s32 $0x108;
	s8 =	sld [smem:$0x3FA7]  }
0x2e: {  	s3 =	simm.s32 @!p0 $0x1082;
	s9 =	sld [smem:$0x3FA8]  }
0x2f: {  	lr =	sadd.s32 s0, s3;
	s0 =	sld [smem:$0x3F9F]  }
0x30: {  	s3 =	sld [smem:$0x3FA2]  }
0x31: {  	[smem:$0x3FAB] =	sst s10  }
0x32: {  	s10 =	sld [smem:$0x3FA9];
	_ =	sdelay $0x3  }
0x33: {  	p0 =	seq.s32 s10, $0x1;
	s10 =	sld [smem:$0x3FAB];
	_ =	sdelay $0x3  }
0x34: {  	[smem:$0x3FAB] =	sst s10  }
0x35: {  	s10 =	sld [smem:$0x3FAA];
	_ =	sdelay $0x3  }
0x36: {  	p1 =	seq.s32 s10, $0x1;
	s10 =	sld [smem:$0x3FAB];
	_ =	sdelay $0x3  }
0x37: {  	[smem:$0x3FAB] =	sst s10  }
0x38: {  	s10 =	sld [smem:$0x3FAC]  }
0x39: {  	_ = 	snop;
	(pc) =	sbr.ind lr, $3  }
0x3a: {  	_ = 	snop  }
0x3b: {  	_ = 	snop  }
0x3c: {  	p2 =	seq.s32 s10, $0x1;
	s10 =	sld [smem:$0x3FAB]  }
0x3d: {  	_ =	shalt  }
0x3e: {  	_ =	shalt  }
0x3f: {  	_ =	shalt  }
0x40: {  	_ =	shalt  }
0x41: {  	_ =	shalt  }
0x42: {  	_ =	shalt  }
0x43: {  	_ =	shalt  }
0x44: {  	_ =	shalt  }
0x45: {  	_ =	shalt  }
0x46: {  	_ =	shalt  }
0x47: {  	_ =	shalt  }
0x48: {  	_ =	shalt  }
0x49: {  	_ =	shalt  }
0x4a: {  	_ =	shalt  }
0x4b: {  	_ =	shalt  }
0x4c: {  	_ =	shalt  }
0x4d: {  	_ =	shalt  }
0x4e: {  	_ =	shalt  }
0x4f: {  	_ =	shalt  }
0x50: {  	_ =	shalt  }
0x51: {  	_ =	shalt  }
0x52: {  	_ =	shalt  }
0x53: {  	_ =	shalt  }
0x54: {  	_ =	shalt  }
0x55: {  	_ =	shalt  }
0x56: {  	_ =	shalt  }
0x57: {  	_ =	shalt  }
0x58: {  	_ =	shalt  }
0x59: {  	_ =	shalt  }
0x5a: {  	_ =	shalt  }
0x5b: {  	_ =	shalt  }
0x5c: {  	_ =	shalt  }
0x5d: {  	_ =	shalt  }
0x5e: {  	_ =	shalt  }
0x5f: {  	_ =	shalt  }
0x60: {  	_ =	shalt  }
0x61: {  	_ =	shalt  }
0x62: {  	_ =	shalt  }
0x63: {  	_ =	shalt  }
0x64: {  	_ =	shalt  }
0x65: {  	_ =	shalt  }
0x66: {  	_ =	shalt  }
0x67: {  	_ =	shalt  }
0x68: {  	_ =	shalt  }
0x69: {  	_ =	shalt  }
0x6a: {  	_ =	shalt  }
0x6b: {  	_ =	shalt  }
0x6c: {  	_ =	shalt  }
0x6d: {  	_ =	shalt  }
0x6e: {  	_ =	shalt  }
0x6f: {  	_ =	shalt  }
0x70: {  	_ =	shalt  }
0x71: {  	_ =	shalt  }
0x72: {  	_ =	shalt  }
0x73: {  	_ =	shalt  }
0x74: {  	_ =	shalt  }
0x75: {  	_ =	shalt  }
0x76: {  	_ =	shalt  }
0x77: {  	_ =	shalt  }
0x78: {  	_ =	shalt  }
0x79: {  	_ =	shalt  }
0x7a: {  	_ =	shalt  }
0x7b: {  	_ =	shalt  }
0x7c: {  	_ =	shalt  }
0x7d: {  	_ =	shalt  }
0x7e: {  	_ =	shalt  }
0x7f: {  	_ =	shalt  }
0x80: {  	_ =	shalt  }
0x81: {  	_ =	shalt  }
0x82: {  	_ =	shalt  }
0x83: {  	_ =	shalt  }
0x84: {  	_ =	shalt  }
0x85: {  	_ =	shalt  }
0x86: {  	_ =	shalt  }
0x87: {  	_ =	shalt  }
.Lfunc_end0:
.L_simem_size_0:
called_computation_lowered:
.L_overlay_start_0:
0x88: {  	s2 =	sld [smem:$0x3FD9]  }
0x89: {  	s3 =	sld [smem:$0x3FFE];
	_ =	sdelay $0x1  }
0x8a: {  	s1 =	srdreg.scid  }
0x8b: {  	s0 =	sand.u32 $0x1, s1  }
0x8c: {  	s16 =	sshll.u32 s0, $0xA;
	s2 =	sadd.s32 s3, s2  }
0x8d: {  	s2 =	sadd.s32 s2, s16  }
0x8e: {  	[smem:$0x3FB7] =	sst s2  }
0x8f: {  	_ = 	snop  }
0x90: {  	(tm) =	ssettm $0x1  }
0x91: {  	s17 =	sld [smem:$0x3FFB];
	_ =	sdelay $0x3  }
0x92: {  	_ =	strace s17  }
0x93: {  	s2 =	sld [smem:$0x3FFC];
	_ =	sdelay $0x3  }
0x94: {  	_ =	strace s2  }
0x95: {  	s2 =	sld [smem:$0x3FFD];
	_ =	sdelay $0x3  }
0x96: {  	_ =	strace s2  }
0x97: {  	_ =	strace $0x8FFFFFFF  }
0x98: {  	s18 =	sld [smem:$0x3FDB];
	_ =	sdelay $0x1  }
0x99: {  	s19 =	simm.s32 $_scs_section_size  }
0x9a: {  	s4 =	simm.s32 $_size__tile_overlayer_lowered;
	s5 =	simm.s32 $_tile_overlayer_lowered  }
0x9b: {  	s22 =	simm.s32 $0x1BFF;
	s21 =	sshll.u32 s5, $0x1;
	s2 =	sadd.s32 s19, s18  }
0x9c: {  	s6 =	simm.s32 $0x0;
	s20 =	sshll.u32 s4, $0x1;
	s4 =	sadd.s32 s21, s2  }
0x9d: {  	[timem:s6], [sflag:s22] =	dma.local [hbm:s4], s20  }
0x9e: {  	_ =	swait.ge [sflag:s22], s20  }
0x9f: {  	s3 =	ssub.s32 $0x0, s20;
	[sflag:s22] =	ssyncset.done $0x0  }
0xa0: {  	[sflag:s22] =	ssyncadd.s32 s3;
	_ =	sdelay $0x1  }
0xa1: {  	s23 =	simm.s32 $0x1B8B  }
0xa2: {  	_ =	swait.ge [sflag:s23], $0x1  }
0xa3: {  	[sflag:s23] =	ssyncset.done $0x0  }
0xa4: {  	s25 =	simm.s32 $0x1B8E;
	s24 =	sld [smem:$0x3FFE];
	[sflag:s23] =	ssyncadd.s32 $0xFFFFFFFF  }
0xa5: {  	s26 =	simm.s32 $execute0_lowered;
	[smem:$0x3FD2] =	sst s25  }
0xa6: {  	s4 =	sshll.u32 s26, $0x1;
	_ =	strace $0x80000046;
	[dreg:$0x1] =	wrdreg $0xFFFFFFFF  }
0xa7: {  	s28 =	simm.s32 $_size_execute0_lowered;
	s2 =	sadd.s32 s2, s4;
	[dreg:$0x0] =	wrdreg $0x0  }
0xa8: {  	s4 =	sshll.u32 s28, $0x1;
	[dreg:$0x2] =	wrdreg s2  }
0xa9: {  	[dreg:$0x3] =	wrdreg s4  }
0xaa: {  	[dreg:$0x4] =	wrdreg $0xC0  }
0xab: {  	_ =	task [dreg:s6], $0x5FFFF  }
0xac: {  	[dreg:$0x1] =	wrdreg $0xFFFFFFFF  }
0xad: {  	[dreg:$0x0] =	wrdreg $0x60  }
0xae: {  	[dreg:$0x2] =	wrdreg s24  }
0xaf: {  	[dreg:$0x3] =	wrdreg $0x9  }
0xb0: {  	_ =	task.clear_ibuf [dreg:s6], $0x4FFFF;
	_ =	strace $0x90000046  }
0xb1: {  	s29 =	simm.s32 $0x9;
	_ =	strace $0x80000048  }
0xb2: {  	_ =	swait.ge [sflag:s29], $0x1  }
0xb3: {  	[sflag:s29] =	ssyncadd.s32 $0xFFFFFFFF  }
0xb4: {  	_ =	strace $0x90000048  }
0xb5: {  	_ =	sfence  }
0xb6: {  	s30 =	sld [smem:$0x0];
	_ =	sdelay $0x2  }
0xb7: {  	s31 =	sshll.u32 s1, $0xD;
	s1 =	sshrl.u32 s1, $0x2  }
0xb8: {  	s3 =	sand.u32 $0x4000, s31;
	s1 =	sadd.s32 s1, s30  }
0xb9: {  	s0 =	sor.u32 s3, s0;
	s1 =	sshll.u32 s1, $0x11  }
0xba: {  	s0 =	sor.u32 s1, s0  }
0xbb: {  	s0 =	sadd.s32 $0x8F2B, s0  }
0xbc: {  	[sflag:s0] =	ssyncadd.remote.s32 $0x1  }
0xbd: {  	_ =	sfence.sel $0xFFFF  }
0xbe: {  	[dreg:$0x0] =	wrdreg $0xFFFFFFFF;
	(pc) =	sbr.abs _section_cstart, $3  }
0xbf: {  	[dreg:$0x1] =	wrdreg $0xFFFFFFFF  }
0xc0: {  	_ =	task.clear_ibuf [dreg:s6], $0x2FFFF;
	_ =	strace $0x9FFFFFFF  }
0xc1: {  	(tm) =	ssettm $0x7FFFFFFF  }
tec
execute0_lowered:
.L_overlay_start_1:
0x0: {  	(tag) =	ssettag $0x1  }
0x1: {  	s7 =	rddreg [dreg:$0x0]  }
0x2: {  	s1 =	srdreg.scid;
	s0 =	rddreg [dreg:$0x1]  }
0x3: {  	_ =	strace $0x80000047;
	s3 =	simm.s32 $0x1;
	s5 =	simm.s32 $0x2  }
0x4: {  	s9 =	simm.s32 $0x3;
	s11 =	simm.s32 $0x0;
	s2 =	sshll.u32 s1, $0x4  }
.Ltmp0:
0x5: {  	s1 =	stileid.u32;
	s4 =	sand.u32 $0x10, s2;
	(pc) =	sbr.rel .LBB2_1-.Ltmp0, $4  }
0x6: {  	p0 =	por $0x0, $0x0;
	[sflag:s3] =	ssyncpa.u1 $0x0;
	s4 =	sor.u32 s1, s4  }
0x7: {  	s6 =	sadd.s32 $0xF1600, s7;
	[sflag:s5] =	ssyncpa.u1 $0x0;
	s4 =	smul.u32 $0x780, s4  }
0x8: {  	s2 =	sadd.s32 $0x1600, s7;
	s7 =	sadd.s32 $0x111400, s7;
	[sflag:s9] =	ssyncpa.u1 $0x0  }
0x9: {  	vm0 =	vmmov $0xff;
	vm1 =	vcmask $0x3F20;
	s9 =	simm.s32 $0x0;
	s8 =	sadd.s32 $0x780, s4;
	s10 =	smov.u32 s4  }
.LBB2_6:
0xa: {  	[hbm:s15] =	stream.linear.scatter [tilespmem:s12], [sflag:$0x3], $0x400, $0x38;
	[tilespmem:$0x18300] =	vst v63  }
.LBB2_7:
0xb: {  	p1 =	slt.u32 s9, $0x2;
	s11 =	sadd.s32 $0x180, s10  }
0xc: {  	s13 =	smov.u32 s4;
	s9 =	sadd.s32 $0x1, s9;
	p2 =	slt.s32 s11, s8  }
0xd: {  	s13 =	smov.u32 @p2 s11;
	p2 =	sne.s32 s9, $0x7  }
.Ltmp1:
0xe: {  	_ = 	snop;
	(pc) =	sbr.rel @!p2 .LBB2_8-.Ltmp1, $4  }
0xf: {  	s12 =	simm.s32 @!p1 $0x3  }
0x10: {  	_ =	swait.ge @!p1 [sflag:s12], $0xC000  }
0x11: {  	p0 =	por !p0, !p0;
	[sflag:s12] =	ssyncset.done @!p1 $0x0  }
0x12: {  	s11 =	smov.u32 s10;
	s10 =	smov.u32 s13;
	[sflag:s12] =	ssyncadd.s32 @!p1 $0xFFFF4000  }
.LBB2_1:
0x13: {  	p1 =	sgt.u32 s9, $0x4  }
0x14: {  	s12 =	sxor.u32 @!p1 $0xFFFFFFFF, s9  }
0x15: {  	s12 =	sand.u32 @!p1 $0x1, s12  }
0x16: {  	s12 =	smul.u32 @!p1 $0x600, s12  }
0x17: {  	s31 =	sadd.s32 $0xFFFFFFFF, s9;
	s13 =	sshrl.u32 @!p1 s10, $0x3  }
0x18: {  	s14 =	sand.u32 @!p1 $0x7, s10;
	s13 =	sadd.s32 @!p1 s6, s13;
	s12 =	sshrl.u32 @!p1 s12, $0x2  }
0x19: {  	[tilespmem:s12], [sflag:$0x2] =	stream.linear.gather @!p1 [hbm4b:s13+s14], $0x180, $0x38;
	[tilespmem:$0x18300] =	vst v63  }
0x1a: {  	p1 =	sgt.u32 s31, $0x4  }
.Ltmp2:
0x1b: {  	_ = 	snop;
	(pc) =	sbr.rel @p1 .LBB2_7-.Ltmp2, $1  }
0x1c: {  	_ =	sdelay $0x3  }
0x1d: {  	s12 =	simm.s32 $0x1  }
0x1e: {  	s12 =	simm.s32 @!p0 $0x0  }
0x1f: {  	s13 =	smul.u32 $0x600, s12  }
0x20: {  	_ =	swait.ge [sflag:s5], $0x180  }
0x21: {  	[sflag:s5] =	ssyncset.done $0x0;
	s14 =	sshrl.u32 s13, $0x2  }
0x22: {  	[sflag:s5] =	ssyncadd.s32 $0xFFFFFE80;
	s13 =	sadd.s32 $0x0, s14  }
0x23: {  	v0 =	vld.msk [tilespmem:s13+$0x0 ss:$0x1], $0xffff;
	_ =	sdelay $0x4  }
0x24: {  	vm2 =	vgt.s32 v0, $0x0  }
0x25: {  	v0 =	vnsel vm2, $0x0, v0  }
0x26: {  	v0 =	vmin.u32 v0, $0xEFFF  }
0x27: {  	v0 =	vshll.u32 v0, $0x4  }
0x28: {  	s12 =	smul.u32 $0x30000, s12;
	_ =	sdelay $0x1  }
0x29: {  	s12 =	sshrl.u32 s12, $0x2  }
0x2a: {  	s12 =	sor.u32 $0x300, s12  }
0x2b: {  	[tilespmem:s12], [sflag:$0x1] =	stream.indirect_vreg.gather [hbm:s2], $0x80, v0, vm0, $0x38;
	[tilespmem:$0x18300] =	vst v63  }
0x2c: {  	s15 =	sadd.s32 $0x10, s14;
	s13 =	sadd.s32 $0x400, s12  }
0x2d: {  	[tilespmem:s13], [sflag:$0x1] =	stream.indirect_vreg.gather [hbm:s2], $0x80, v0, vm1, $0x38;
	[tilespmem:$0x18300] =	vst v63  }
0x2e: {  	s16 =	simm.s32 $0x80;
	v0 =	vld.msk [tilespmem:s15+$0x0 ss:$0x1], $0xffff;
	s15 =	smov.u32 s12  }
.LBB2_3:
0x2f: {  	p1 =	sne.s32 s16, $0x5C0;
	_ =	sdelay $0x4  }
0x30: {  	vm2 =	vgt.s32 v0, $0x0  }
0x31: {  	v0 =	vnsel vm2, $0x0, v0  }
0x32: {  	v0 =	vmin.u32 v0, $0xEFFF  }
0x33: {  	v0 =	vshll.u32 v0, $0x4;
	_ =	sdelay $0x3  }
.Ltmp3:
0x34: {  	s17 =	sshra.s32 s16, $0x2;
	s15 =	sadd.s32 $0x800, s15;
	(pc) =	sbr.rel @p1 .LBB2_3-.Ltmp3, $4  }
0x35: {  	[tilespmem:s15], [sflag:$0x1] =	stream.indirect_vreg.gather [hbm:s2], $0x80, v0, vm0, $0x38;
	[tilespmem:$0x18300] =	vst v63  }
0x36: {  	s17 =	sadd.s32 s17, s14;
	s18 =	sadd.s32 $0x400, s15  }
0x37: {  	[tilespmem:s18], [sflag:$0x1] =	stream.indirect_vreg.gather [hbm:s2], $0x80, v0, vm1, $0x38;
	[tilespmem:$0x18300] =	vst v63  }
0x38: {  	s16 =	sadd.s32 $0x40, s16;
	v0 =	vld.msk [tilespmem:s17+$0x0 ss:$0x1], $0xffff  }
0x39: {  	_ =	sdelay $0x3  }
0x3a: {  	vm2 =	vgt.s32 v0, $0x0  }
0x3b: {  	v0 =	vnsel vm2, $0x0, v0  }
0x3c: {  	v0 =	vmin.u32 v0, $0xEFFF  }
0x3d: {  	v0 =	vshll.u32 v0, $0x4;
	_ =	sdelay $0x3  }
0x3e: {  	s14 =	sadd.s32 $0x800, s15  }
0x3f: {  	[tilespmem:s14], [sflag:$0x1] =	stream.indirect_vreg.gather [hbm:s2], $0x80, v0, vm0, $0x38;
	[tilespmem:$0x18300] =	vst v63  }
0x40: {  	s14 =	sadd.s32 $0x400, s14  }
0x41: {  	[tilespmem:s14], [sflag:$0x1] =	stream.indirect_vreg.gather [hbm:s2], $0x80, v0, vm1, $0x38;
	[tilespmem:$0x18300] =	vst v63  }
0x42: {  	s11 =	sshll.u32 s11, $0x4;
	_ =	swait.ge [sflag:s3], $0xC000  }
0x43: {  	s11 =	sadd.s32 s11, s7;
	[sflag:s3] =	ssyncset.done $0x0  }
0x44: {  	s15 =	sadd.s32 $0x0, s11;
	s14 =	simm.s32 $0x80;
	[sflag:s3] =	ssyncadd.s32 $0xFFFF4000  }
.LBB2_5:
0x45: {  	[hbm:s15] =	stream.linear.scatter [tilespmem:s12], [sflag:$0x3], $0x400, $0x38;
	[tilespmem:$0x18300] =	vst v63  }
0x46: {  	s15 =	smov.u32 s14;
	s12 =	smov.u32 s13;
	p1 =	sne.s32 s14, $0x1780  }
.Ltmp4:
0x47: {  	s14 =	sadd.s32 $0x80, s14;
	(pc) =	sbr.rel @p1 .LBB2_5-.Ltmp4, $2  }
0x48: {  	_ =	sdelay $0x2  }
0x49: {  	s13 =	sadd.s32 $0x400, s13;
	s15 =	sadd.s32 s15, s11  }
.Ltmp5:
0x4a: {  	_ = 	snop;
	(pc) =	sbr.rel .LBB2_6-.Ltmp5, $1  }
0x4b: {  	_ =	sdelay $0x3  }
.LBB2_8:
0x4c: {  	_ =	sfence.sel $0x180000  }
0x4d: {  	s2 =	simm.s32 $0x2;
	[bflag:$0x0] =	sbarrier.arrive $0xFFFF  }
0x4e: {  	s30 =	simm.s32 $0x3;
	[sflag:s2] =	ssyncpa.u1 $0x1  }
0x4f: {  	s31 =	simm.s32 $0x1;
	[sflag:s30] =	ssyncpa.u1 $0x1  }
0x50: {  	[sflag:s31] =	ssyncpa.u1 $0x1  }
0x51: {  	p0 =	sne.s32 s1, $0x0;
	_ =	strace $0x90000047  }
0x52: {  	s0 =	sadd.s32 @!p0 $0x100000, s0;
	[bflag:$0x2] =	sbarrier.arrive $0xFFFF  }
0x53: {  	[sflag:s0] =	ssyncadd.tile.s32 @!p0 $0x1;
	_ =	shalt  }
.Lfunc_end2:
_tile_overlayer_lowered:
.L_overlay_start_2:
0x54: {  	(tag) =	ssettag $0x2  }
0x55: {  	s0 =	rddreg [dreg:$0x0];
	s2 =	stileid.u32  }
0x56: {  	s1 =	rddreg [dreg:$0x1];
	p0 =	sne.s32 s2, $0x0  }
0x57: {  	s3 =	rddreg [dreg:$0x2];
	[bflag:$0x3] =	sbarrier.arrive $0xFFFF;
	s2 =	simm.s32 @!p0 $0x1C01  }
0x58: {  	[timem:s3], [sflag:s2] =	dma.local @!p0 [hbm:s0], s1  }
0x59: {  	s0 =	simm.s32 @!p0 $0x1  }
0x5a: {  	_ =	swait.ge @!p0 [sflag:s0], s1  }
0x5b: {  	s1 =	ssub.s32 @!p0 $0x0, s1;
	[sflag:s0] =	ssyncset.done @!p0 $0x0  }
0x5c: {  	[sflag:s0] =	ssyncadd.s32 @!p0 s1  }
0x5d: {  	[bflag:$0x3] =	sbarrier.arrive $0xFFFF  }
0x5e: {  	_ =	shalt  }

</sc_bundles>
